<compile_context>
chip_gen: v7x
topology: tpu7x:2x2x1
jax: 0.10.2.dev20260603
libtpu: 0.0.44.dev20260713+nightly
codegen_flags: <defaults>
</compile_context>

<pallas_src>
import functools
import jax
import jax.numpy as jnp
from jax import lax
from jax.experimental import pallas as pl
from jax.experimental.pallas import tpu as pltpu, tpu_sc as plsc

B_, A_, C_, NOBJ_ = 16, 24564, 81, 24
A_PAD = 24576
BLK_A = 4096
N_BLK = A_PAD // BLK_A
THRESH = 0.5
NEG_RATIO = 3
V0, V1 = 0.1, 0.2

N_ANCH = B_ * A_PAD
NW = 32
PERW = N_ANCH // NW
CHUNK = 128
NCH = PERW // CHUNK
TBL_ROWS = B_ * A_ * C_ // 16


def _smooth_l1(d):
    ad = jnp.abs(d)
    return jnp.where(ad < 1.0, 0.5 * d * d, ad - 0.5)


def _match_body(anct_ref, lt_ref, ltt_ref, lab_ref, lpt_ref,
                conf_ref, posf_ref, npos_ref, lloss_ref, row_ref):
    anc = anct_ref[...]
    tru = lt_ref[0]
    trt = ltt_ref[0]
    lab = lab_ref[0]
    lp = lpt_ref[0]

    cx, cy, w, h = anc[0:1], anc[1:2], anc[2:3], anc[3:4]
    ax0 = cx - w * 0.5
    ay0 = cy - h * 0.5
    ax1 = cx + w * 0.5
    ay1 = cy + h * 0.5

    tx0, ty0 = tru[:, 0:1], tru[:, 1:2]
    tx1, ty1 = tru[:, 2:3], tru[:, 3:4]

    ix = jnp.clip(jnp.minimum(tx1, ax1) - jnp.maximum(tx0, ax0), 0.0, None)
    iy = jnp.clip(jnp.minimum(ty1, ay1) - jnp.maximum(ty0, ay0), 0.0, None)
    inter = ix * iy
    area_t = (tx1 - tx0) * (ty1 - ty0)
    area_a = (ax1 - ax0) * (ay1 - ay0)
    ov = inter / (area_t + area_a - inter)

    lane = jax.lax.broadcasted_iota(jnp.int32, (1, A_PAD), 1)
    valid = lane < A_
    ov = jnp.where(valid, ov, -1.0)

    ti = jax.lax.broadcasted_iota(jnp.int32, (NOBJ_, A_PAD), 0)
    laneb = jax.lax.broadcasted_iota(jnp.int32, (NOBJ_, A_PAD), 1)

    bto = jnp.max(ov, axis=0, keepdims=True)
    bti = jnp.min(jnp.where(ov >= bto, ti, NOBJ_), axis=0, keepdims=True)

    bpv = jnp.max(ov, axis=1, keepdims=True)
    bpi = jnp.min(jnp.where(ov >= bpv, laneb, A_PAD), axis=1, keepdims=True)

    forced = jnp.max(jnp.where(lane == bpi, ti, -1), axis=0, keepdims=True)
    bti = jnp.where(forced >= 0, forced, bti)
    bto = jnp.where(forced >= 0, 2.0, bto)

    onehot = (bti == ti).astype(jnp.float32)
    coef = jnp.concatenate([trt, lab.astype(jnp.float32),
                            jnp.zeros((3, NOBJ_), jnp.float32)], axis=0)
    g = jax.lax.dot_general(coef, onehot, (((1,), (0,)), ((), ())),
                            preferred_element_type=jnp.float32)
    mx0, my0, mx1, my1, labg = g[0:1], g[1:2], g[2:3], g[3:4], g[4:5]

    conf = jnp.where(bto < THRESH, 0, (labg + 0.5).astype(jnp.int32))
    pos = conf > 0

    b = pl.program_id(0)
    a_real = jnp.minimum(lane, A_ - 1)
    e = (b * A_ + a_real) * C_ + conf
    row_ref[...] = e.reshape(1, 1, A_PAD)

    g_cx = ((mx0 + mx1) * 0.5 - cx) / (V0 * w)
    g_cy = ((my0 + my1) * 0.5 - cy) / (V0 * h)
    sw = jnp.where(pos, (mx1 - mx0) / w, 1.0)
    sh = jnp.where(pos, (my1 - my0) / h, 1.0)
    g_w = jnp.log(sw) / V1
    g_h = jnp.log(sh) / V1

    t = (_smooth_l1(lp[0:1] - g_cx) + _smooth_l1(lp[1:2] - g_cy)
         + _smooth_l1(lp[2:3] - g_w) + _smooth_l1(lp[3:4] - g_h))
    lloss = jnp.sum(jnp.where(pos, t, 0.0))
    npos = jnp.sum(jnp.where(pos, 1, 0))

    conf_ref[...] = conf.reshape(1, 1, A_PAD)
    posf_ref[...] = pos.astype(jnp.float32).reshape(1, 1, A_PAD)
    npos_ref[...] = npos.reshape(1, 1, 1)
    lloss_ref[...] = lloss.reshape(1, 1, 1)


def _se_body(x_ref, se_ref):
    x = x_ref[0]
    ones = jnp.ones((1, C_), jnp.float32)
    dn = (((1,), (1,)), ((), ()))
    se = jax.lax.dot_general(ones, jnp.exp(x), dn,
                             preferred_element_type=jnp.float32)
    se_ref[...] = se.reshape(1, 1, BLK_A)


def _sc_gather_body(tbl_hbm, eidx_hbm, ga_hbm, idx_v, out_v, sem):
    wid = lax.axis_index("s") * 2 + lax.axis_index("c")
    base = wid * PERW
    pltpu.sync_copy(eidx_hbm.at[pl.ds(base, PERW)], idx_v)

    def chunk(g, carry):
        cp = pltpu.make_async_copy(
            tbl_hbm.at[idx_v.at[pl.ds(g * CHUNK, CHUNK)]],
            out_v.at[pl.ds(g * CHUNK, CHUNK)], sem)
        cp.start()
        cp.wait()
        return carry

    lax.fori_loop(0, NCH, chunk, 0)
    pltpu.sync_copy(out_v, ga_hbm.at[pl.ds(base, PERW)])


def _sc_gather(tbl, eidx):
    fn = functools.partial(
        pl.kernel,
        mesh=plsc.VectorSubcoreMesh(core_axis_name="c",
                                    subcore_axis_name="s"),
        out_type=jax.ShapeDtypeStruct((N_ANCH,), jnp.float32),
        scratch_types=[
            pltpu.VMEM((PERW,), jnp.int32),
            pltpu.VMEM((PERW,), jnp.float32),
            pltpu.SemaphoreType.DMA,
        ],
    )(_sc_gather_body)
    return fn(tbl, eidx)


def _select_body(se_ref, ga_ref, posf_ref, npos_ref, lloss_ref,
                 cl_ref, ll_ref, tot_ref):
    se = se_ref[:, 0, :]
    ga = ga_ref[...]
    pos = posf_ref[:, 0, :] > 0.5
    npos = npos_ref[:, 0, :]

    lane = jax.lax.broadcasted_iota(jnp.int32, (B_, A_PAD), 1)
    valid = lane < A_

    ce = jnp.where(valid, jnp.log(se) - ga, 0.0)
    cls = jnp.maximum(jnp.where(pos, 0.0, ce), 0.0)
    bits = jnp.where(valid, jax.lax.bitcast_convert_type(cls, jnp.int32),
                     -1)

    k = jnp.minimum(NEG_RATIO * npos, A_ - 1)

    def step(_, carry):
        lo, hi = carry
        mid = lo + (hi - lo) // 2
        cnt = jnp.sum(jnp.where(bits >= mid, 1, 0), axis=1, keepdims=True)
        ge = cnt >= k
        return jnp.where(ge, mid, lo), jnp.where(ge, hi, mid)

    lo = jnp.zeros((B_, 1), jnp.int32)
    hi = jnp.full((B_, 1), 0x7F800000, jnp.int32)
    lo, hi = jax.lax.fori_loop(0, 31, step, (lo, hi))

    sel = jnp.logical_or(pos, bits >= lo)
    class_sum = jnp.sum(jnp.where(sel, ce, 0.0))
    nm = jnp.sum(npos).astype(jnp.float32)
    cl = class_sum / nm
    ll = jnp.sum(lloss_ref[...]) / nm
    cl_ref[...] = cl.reshape(1, 1)
    ll_ref[...] = ll.reshape(1, 1)
    tot_ref[...] = (cl + ll).reshape(1, 1)


@jax.jit
def kernel(class_preds, class_targets, loc_preds, loc_targets, anchors):
    f32 = jnp.float32
    anct = jnp.pad(anchors, ((0, A_PAD - A_), (0, 0)),
                   constant_values=1.0).T
    ltt = jnp.transpose(loc_targets, (0, 2, 1))
    lab3 = class_targets.reshape(B_, 1, NOBJ_)
    lpt = jnp.pad(jnp.transpose(loc_preds, (0, 2, 1)),
                  ((0, 0), (0, 0), (0, A_PAD - A_)))

    conf3, posf3, npos3, lloss3, row3 = pl.pallas_call(
        _match_body,
        grid=(B_,),
        in_specs=[
            pl.BlockSpec((4, A_PAD), lambda b: (0, 0)),
            pl.BlockSpec((1, NOBJ_, 4), lambda b: (b, 0, 0)),
            pl.BlockSpec((1, 4, NOBJ_), lambda b: (b, 0, 0)),
            pl.BlockSpec((1, 1, NOBJ_), lambda b: (b, 0, 0)),
            pl.BlockSpec((1, 4, A_PAD), lambda b: (b, 0, 0)),
        ],
        out_specs=[
            pl.BlockSpec((1, 1, A_PAD), lambda b: (b, 0, 0)),
            pl.BlockSpec((1, 1, A_PAD), lambda b: (b, 0, 0)),
            pl.BlockSpec((1, 1, 1), lambda b: (b, 0, 0)),
            pl.BlockSpec((1, 1, 1), lambda b: (b, 0, 0)),
            pl.BlockSpec((1, 1, A_PAD), lambda b: (b, 0, 0)),
        ],
        out_shape=[
            jax.ShapeDtypeStruct((B_, 1, A_PAD), jnp.int32),
            jax.ShapeDtypeStruct((B_, 1, A_PAD), f32),
            jax.ShapeDtypeStruct((B_, 1, 1), jnp.int32),
            jax.ShapeDtypeStruct((B_, 1, 1), f32),
            jax.ShapeDtypeStruct((B_, 1, A_PAD), jnp.int32),
        ],
    )(anct, loc_targets, ltt, lab3, lpt)

    ga_flat = _sc_gather(class_preds.reshape(B_ * A_ * C_),
                         row3.reshape(N_ANCH))

    se3 = pl.pallas_call(
        _se_body,
        grid=(B_, N_BLK),
        in_specs=[
            pl.BlockSpec((1, BLK_A, C_), lambda b, j: (b, j, 0)),
        ],
        out_specs=pl.BlockSpec((1, 1, BLK_A), lambda b, j: (b, 0, j)),
        out_shape=jax.ShapeDtypeStruct((B_, 1, A_PAD), f32),
    )(class_preds)

    cl, ll, tot = pl.pallas_call(
        _select_body,
        in_specs=[
            pl.BlockSpec((B_, 1, A_PAD), lambda: (0, 0, 0)),
            pl.BlockSpec((B_, A_PAD), lambda: (0, 0)),
            pl.BlockSpec((B_, 1, A_PAD), lambda: (0, 0, 0)),
            pl.BlockSpec((B_, 1, 1), lambda: (0, 0, 0)),
            pl.BlockSpec((B_, 1, 1), lambda: (0, 0, 0)),
        ],
        out_specs=[pl.BlockSpec((1, 1), lambda: (0, 0))] * 3,
        out_shape=[jax.ShapeDtypeStruct((1, 1), f32)] * 3,
    )(se3, ga_flat.reshape(B_, A_PAD), posf3, npos3, lloss3)

    return (cl[0, 0], ll[0, 0], tot[0, 0])

# --- scband reference (transcript-rebuilt; emitter-appended) ---
"""Pipeline reference for scband-multi-box-loss-62904091017769 (READ-ONLY COPY).

The authoritative reference and input builder live on the scoring server;
editing this copy changes nothing except your own understanding.
"""

import jax, jax.numpy as jnp
import numpy as np

B, A, C, NOBJ = 16, 24564, 81, 24
THRESHOLD = 0.5
POS_NEG_RATIO = 3
VAR0, VAR1 = 0.1, 0.2


def point_form(anchors):
    return jnp.concatenate([anchors[:, :2] - anchors[:, 2:] / 2.0,
                            anchors[:, :2] + anchors[:, 2:] / 2.0], axis=1)


def jaccard(box_a, box_b):
    lt = jnp.maximum(box_a[:, None, :2], box_b[None, :, :2])
    rb = jnp.minimum(box_a[:, None, 2:], box_b[None, :, 2:])
    wh = jnp.clip(rb - lt, 0.0, None)
    inter = wh[..., 0] * wh[..., 1]
    area_a = ((box_a[:, 2] - box_a[:, 0]) * (box_a[:, 3] - box_a[:, 1]))[:, None]
    area_b = ((box_b[:, 2] - box_b[:, 0]) * (box_b[:, 3] - box_b[:, 1]))[None, :]
    return inter / (area_a + area_b - inter)


def encode(matched, anchors):
    g_cxcy = (matched[:, :2] + matched[:, 2:]) / 2.0 - anchors[:, :2]
    g_cxcy = g_cxcy / (VAR0 * anchors[:, 2:])
    g_wh = (matched[:, 2:] - matched[:, :2]) / anchors[:, 2:]
    g_wh = jnp.log(g_wh) / VAR1
    return jnp.concatenate([g_cxcy, g_wh], axis=1)


def match_one(truths, labels, anchors):
    overlaps = jaccard(truths, point_form(anchors))  # [NOBJ, A]
    best_prior_idx = jnp.argmax(overlaps, axis=1)    # [NOBJ]
    best_truth_overlap = jnp.max(overlaps, axis=0)   # [A]
    best_truth_idx = jnp.argmax(overlaps, axis=0)    # [A]
    best_truth_overlap = best_truth_overlap.at[best_prior_idx].set(2.0)
    best_truth_idx = best_truth_idx.at[best_prior_idx].set(jnp.arange(truths.shape[0]))
    matches = truths[best_truth_idx]
    conf = jnp.where(best_truth_overlap < THRESHOLD, 0, labels[best_truth_idx])
    loc = encode(matches, anchors)
    return conf, loc


def setup_inputs(seed: int = 0):
    key = jax.random.key(seed)
    k1, k2, k3, k4, k5, k6, k7 = jax.random.split(key, 7)
    class_preds = jax.random.normal(k1, (B, A, C), dtype=jnp.float32)
    class_targets = jax.random.randint(k2, (B, NOBJ), 1, C).astype(jnp.int32)
    loc_preds = jax.random.normal(k3, (B, A, 4), dtype=jnp.float32)
    mins = jax.random.uniform(k4, (B, NOBJ, 2), minval=0.0, maxval=0.7)
    sizes = jax.random.uniform(k5, (B, NOBJ, 2), minval=0.05, maxval=0.25)
    loc_targets = jnp.concatenate([mins, mins + sizes], axis=2)
    cxy = jax.random.uniform(k6, (A, 2), minval=0.05, maxval=0.95)
    wh = jax.random.uniform(k7, (A, 2), minval=0.05, maxval=0.4)
    anchors = jnp.concatenate([cxy, wh], axis=1)
    return {"class_preds": class_preds, "class_targets": class_targets,
            "loc_preds": loc_preds, "loc_targets": loc_targets, "anchors": anchors}


def reference(class_preds, class_targets, loc_preds, loc_targets, anchors):
    conf_m, loc_m = jax.vmap(lambda t, l: match_one(t, l, anchors))(loc_targets, class_targets)
    pos = conf_m > 0  # [B, A]
    # smooth L1 loc loss over positive anchors (sum reduction)
    diff = loc_preds - loc_m
    ad = jnp.abs(diff)
    sl1 = jnp.where(ad < 1.0, 0.5 * diff * diff, ad - 0.5)
    loc_loss = jnp.sum(sl1 * pos[..., None].astype(sl1.dtype))
    # hard negative mining score: log_sum_exp (global max trick, as in torch) - gathered logit
    batch_conf = class_preds.reshape(-1, C)
    x_max = jnp.max(batch_conf)
    lse = jnp.log(jnp.sum(jnp.exp(batch_conf - x_max), axis=1)) + x_max
    gathered = jnp.take_along_axis(batch_conf, conf_m.reshape(-1, 1), axis=1)[:, 0]
    cls_all = (lse - gathered).reshape(B, A)
    cls_all = jnp.where(pos, 0.0, cls_all)
    loss_index = jnp.argsort(-cls_all, axis=1)       # descending sort
    index_rank = jnp.argsort(loss_index, axis=1)
    num_pos = jnp.sum(pos.astype(jnp.int32), axis=1, keepdims=True)
    num_neg = jnp.minimum(POS_NEG_RATIO * num_pos, A - 1)
    neg = index_rank < num_neg
    sel = jnp.logical_or(pos, neg)
    # cross entropy (sum) over selected pos+neg anchors
    row_max = jnp.max(class_preds, axis=2, keepdims=True)
    lse2 = jnp.log(jnp.sum(jnp.exp(class_preds - row_max), axis=2)) + row_max[..., 0]
    tgt = jnp.take_along_axis(class_preds, conf_m[..., None], axis=2)[..., 0]
    ce = lse2 - tgt
    class_loss = jnp.sum(jnp.where(sel, ce, 0.0))
    num_matched = jnp.sum(num_pos).astype(jnp.float32)
    class_loss = class_loss / num_matched
    loc_loss = loc_loss / num_matched
    return (class_loss, loc_loss, class_loss + loc_loss)

if __name__ == "__main__":
    import jax
    _d = setup_inputs()
    print(jax.jit(kernel)(*tuple(_d.values())))

</pallas_src>

<mosaic_0001>
#map = affine_map<(d0, d1) -> (0)>
module attributes {stable_mosaic.version = 14 : i64} {
  func.func @_sc_gather_body(%arg0: i32, %arg1: i32, %arg2: memref<31834944xf32, #tpu.memory_space<hbm>>, %arg3: memref<393216xi32, #tpu.memory_space<hbm>>, %arg4: memref<393216xf32, #tpu.memory_space<hbm>>, %arg5: memref<12288xi32, #tpu.memory_space<vmem>>, %arg6: memref<12288xf32, #tpu.memory_space<vmem>>, %arg7: memref<!tpu.dma_semaphore, #tpu.memory_space<semaphore_mem>>) attributes {dimension_semantics = [#tpu.dimension_semantics<core_parallel>, #tpu.dimension_semantics<subcore_parallel>], iteration_bounds = array<i64: 2, 16>, scalar_prefetch = 0 : i64, scratch_operands = 3 : i64, tpu.core_type = #tpu.core_type<sc_vector_subcore>, window_params = [{transform_indices = #map}, {transform_indices = #map}, {transform_indices = #map}]} {
    %mul3A = arith.constant 2 : i32
    %mul3A_0 = arith.muli %arg1, %mul3A : i32
    %add3A = arith.addi %mul3A_0, %arg0 : i32
    %mul3A_1 = arith.constant 12288 : i32
    %mul3A_2 = arith.muli %add3A, %mul3A_1 : i32
    "tpu.region"() ({
      %run_scoped3A = tpu.sem_alloc : memref<!tpu.dma_semaphore, #tpu.memory_space<semaphore_mem>>
      %dma_start3A = tpu.memref_slice %arg3[%mul3A_2] : memref<393216xi32, #tpu.memory_space<hbm>> -> memref<12288xi32, #tpu.memory_space<hbm>>
      %dma_start3A_8 = tpu.memref_slice %arg3[%mul3A_2] : memref<393216xi32, #tpu.memory_space<hbm>> -> memref<12288xi32, #tpu.memory_space<hbm>>
      tpu.enqueue_dma source(%dma_start3A_8 : memref<12288xi32, #tpu.memory_space<hbm>>) target(%arg5 : memref<12288xi32, #tpu.memory_space<vmem>>) target_semaphore(%run_scoped3A : memref<!tpu.dma_semaphore, #tpu.memory_space<semaphore_mem>>)
      %dma_wait3A = tpu.memref_slice %arg3[%mul3A_2] : memref<393216xi32, #tpu.memory_space<hbm>> -> memref<12288xi32, #tpu.memory_space<hbm>>
      %dma_wait3A_9 = tpu.memref_slice %arg3[%mul3A_2] : memref<393216xi32, #tpu.memory_space<hbm>> -> memref<12288xi32, #tpu.memory_space<hbm>>
      tpu.wait_dma2 semaphore(%run_scoped3A : memref<!tpu.dma_semaphore, #tpu.memory_space<semaphore_mem>>) src(%dma_wait3A_9 : memref<12288xi32, #tpu.memory_space<hbm>>) dst(%arg5 : memref<12288xi32, #tpu.memory_space<vmem>>)
      tpu.yield
    }) : () -> ()
    %scan3A = arith.constant 0 : i32
    %scan3A_3 = arith.constant 0 : i32
    %scan3A_4 = arith.constant 96 : i32
    %scan3A_5 = arith.addi %scan3A_3, %scan3A_4 : i32
    %scan3A_6 = arith.constant 1 : i32
    scf.for %scan3A_8 = %scan3A_3 to %scan3A_5 step %scan3A_6  : i32 {
      %mul3A_9 = arith.constant 128 : i32
      %mul3A_10 = arith.muli %scan3A_8, %mul3A_9 : i32
      %mul3A_11 = arith.constant 128 : i32
      %mul3A_12 = arith.muli %scan3A_8, %mul3A_11 : i32
      %dma_start3A = tpu.memref_slice %arg6[%mul3A_12] : memref<12288xf32, #tpu.memory_space<vmem>> -> memref<128xf32, #tpu.memory_space<vmem>>
      %dma_start3A_13 = tpu.memref_slice %arg5[%mul3A_10] : memref<12288xi32, #tpu.memory_space<vmem>> -> memref<128xi32, #tpu.memory_space<vmem>>
      %dma_start3A_14 = arith.constant 0 : i32
      %dma_start3A_15 = tpu.memref_slice %arg2[%dma_start3A_14] : memref<31834944xf32, #tpu.memory_space<hbm>> -> memref<31834944xf32, #tpu.memory_space<hbm>>
      tpu.enqueue_indirect_dma source(%dma_start3A_15 : memref<31834944xf32, #tpu.memory_space<hbm>>) target(%dma_start3A : memref<128xf32, #tpu.memory_space<vmem>>) offsets(%dma_start3A_13 : memref<128xi32, #tpu.memory_space<vmem>>) semaphore(%arg7 : memref<!tpu.dma_semaphore, #tpu.memory_space<semaphore_mem>>)
      %dma_wait3A = tpu.memref_slice %arg6[%mul3A_12] : memref<12288xf32, #tpu.memory_space<vmem>> -> memref<128xf32, #tpu.memory_space<vmem>>
      %dma_wait3A_16 = tpu.memref_slice %arg5[%mul3A_10] : memref<12288xi32, #tpu.memory_space<vmem>> -> memref<128xi32, #tpu.memory_space<vmem>>
      %dma_wait3A_17 = arith.constant 0 : i32
      %dma_wait3A_18 = tpu.memref_slice %arg2[%dma_wait3A_17] : memref<31834944xf32, #tpu.memory_space<hbm>> -> memref<31834944xf32, #tpu.memory_space<hbm>>
      tpu.wait_indirect_dma semaphore(%arg7 : memref<!tpu.dma_semaphore, #tpu.memory_space<semaphore_mem>>) src(%dma_wait3A_18 : memref<31834944xf32, #tpu.memory_space<hbm>>) dst(%dma_wait3A : memref<128xf32, #tpu.memory_space<vmem>>)
    }
    %scan3A_7 = arith.constant 96 : i32
    "tpu.region"() ({
      %run_scoped3A = tpu.sem_alloc : memref<!tpu.dma_semaphore, #tpu.memory_space<semaphore_mem>>
      %dma_start3A = tpu.memref_slice %arg4[%mul3A_2] : memref<393216xf32, #tpu.memory_space<hbm>> -> memref<12288xf32, #tpu.memory_space<hbm>>
      %dma_start3A_8 = tpu.memref_slice %arg4[%mul3A_2] : memref<393216xf32, #tpu.memory_space<hbm>> -> memref<12288xf32, #tpu.memory_space<hbm>>
      tpu.enqueue_dma source(%arg6 : memref<12288xf32, #tpu.memory_space<vmem>>) target(%dma_start3A_8 : memref<12288xf32, #tpu.memory_space<hbm>>) target_semaphore(%run_scoped3A : memref<!tpu.dma_semaphore, #tpu.memory_space<semaphore_mem>>)
      %dma_wait3A = tpu.memref_slice %arg4[%mul3A_2] : memref<393216xf32, #tpu.memory_space<hbm>> -> memref<12288xf32, #tpu.memory_space<hbm>>
      %dma_wait3A_9 = tpu.memref_slice %arg4[%mul3A_2] : memref<393216xf32, #tpu.memory_space<hbm>> -> memref<12288xf32, #tpu.memory_space<hbm>>
      tpu.wait_dma2 semaphore(%run_scoped3A : memref<!tpu.dma_semaphore, #tpu.memory_space<semaphore_mem>>) src(%arg6 : memref<12288xf32, #tpu.memory_space<vmem>>) dst(%dma_wait3A_9 : memref<12288xf32, #tpu.memory_space<hbm>>)
      tpu.yield
    }) : () -> ()
    return
  }
}

module attributes {stable_mosaic.version = 14 : i64} {
  func.func @_match_body(%arg0: i32, %arg1: memref<4x24576xf32, #tpu.memory_space<vmem>>, %arg2: memref<1x24x4xf32, #tpu.memory_space<vmem>>, %arg3: memref<1x4x24xf32, #tpu.memory_space<vmem>>, %arg4: memref<1x1x24xi32, #tpu.memory_space<vmem>>, %arg5: memref<1x4x24576xf32, #tpu.memory_space<vmem>>, %arg6: memref<1x1x24576xi32, #tpu.memory_space<vmem>>, %arg7: memref<1x1x24576xf32, #tpu.memory_space<vmem>>, %arg8: memref<1x1x1xi32, #tpu.memory_space<vmem>>, %arg9: memref<1x1x1xf32, #tpu.memory_space<vmem>>, %arg10: memref<1x1x24576xi32, #tpu.memory_space<vmem>>) attributes {dimension_semantics = [#tpu.dimension_semantics<arbitrary>], iteration_bounds = array<i64: 16>, scalar_prefetch = 0 : i64, scratch_operands = 0 : i64, tpu.core_type = #tpu.core_type<tc>, window_params = [{pipeline_mode = #tpu.pipeline_mode<synchronous>, transform_indices = @transform_0, window_bounds = array<i64: 4, 24576>}, {transform_indices = @transform_1, window_bounds = array<i64: 1, 24, 4>}, {transform_indices = @transform_2, window_bounds = array<i64: 1, 4, 24>}, {transform_indices = @transform_3, window_bounds = array<i64: 1, 1, 24>}, {transform_indices = @transform_4, window_bounds = array<i64: 1, 4, 24576>}, {transform_indices = @transform_5, window_bounds = array<i64: 1, 1, 24576>}, {transform_indices = @transform_6, window_bounds = array<i64: 1, 1, 24576>}, {transform_indices = @transform_7, window_bounds = array<i64: 1, 1, 1>}, {transform_indices = @transform_8, window_bounds = array<i64: 1, 1, 1>}, {transform_indices = @transform_9, window_bounds = array<i64: 1, 1, 24576>}]} {
    %get3A = arith.constant 0 : index
    %get3A_0 = arith.constant 0 : index
    %get3A_1 = vector.load %arg1[%get3A, %get3A_0] : memref<4x24576xf32, #tpu.memory_space<vmem>>, vector<4x24576xf32>
    %get3A_2 = arith.constant 0 : index
    %get3A_3 = arith.constant 0 : index
    %get3A_4 = arith.constant 0 : index
    %get3A_5 = vector.load %arg2[%get3A_2, %get3A_3, %get3A_4] : memref<1x24x4xf32, #tpu.memory_space<vmem>>, vector<1x24x4xf32>
    %get3A_6 = vector.shape_cast %get3A_5 : vector<1x24x4xf32> to vector<24x4xf32>
    %get3A_7 = arith.constant 0 : index
    %get3A_8 = arith.constant 0 : index
    %get3A_9 = arith.constant 0 : index
    %get3A_10 = vector.load %arg3[%get3A_7, %get3A_8, %get3A_9] : memref<1x4x24xf32, #tpu.memory_space<vmem>>, vector<1x4x24xf32>
    %get3A_11 = vector.shape_cast %get3A_10 : vector<1x4x24xf32> to vector<4x24xf32>
    %get3A_12 = arith.constant 0 : index
    %get3A_13 = arith.constant 0 : index
    %get3A_14 = arith.constant 0 : index
    %get3A_15 = vector.load %arg4[%get3A_12, %get3A_13, %get3A_14] : memref<1x1x24xi32, #tpu.memory_space<vmem>>, vector<1x1x24xi32>
    %get3A_16 = vector.shape_cast %get3A_15 : vector<1x1x24xi32> to vector<1x24xi32>
    %get3A_17 = arith.constant 0 : index
    %get3A_18 = arith.constant 0 : index
    %get3A_19 = arith.constant 0 : index
    %get3A_20 = vector.load %arg5[%get3A_17, %get3A_18, %get3A_19] : memref<1x4x24576xf32, #tpu.memory_space<vmem>>, vector<1x4x24576xf32>
    %get3A_21 = vector.shape_cast %get3A_20 : vector<1x4x24576xf32> to vector<4x24576xf32>
    %slice3A = vector.extract_strided_slice %get3A_1 {offsets = [0, 0], sizes = [1, 24576], strides = [1, 1]} : vector<4x24576xf32> to vector<1x24576xf32>
    %slice3A_22 = vector.extract_strided_slice %get3A_1 {offsets = [1, 0], sizes = [1, 24576], strides = [1, 1]} : vector<4x24576xf32> to vector<1x24576xf32>
    %slice3A_23 = vector.extract_strided_slice %get3A_1 {offsets = [2, 0], sizes = [1, 24576], strides = [1, 1]} : vector<4x24576xf32> to vector<1x24576xf32>
    %slice3A_24 = vector.extract_strided_slice %get3A_1 {offsets = [3, 0], sizes = [1, 24576], strides = [1, 1]} : vector<4x24576xf32> to vector<1x24576xf32>
    %mul3A = arith.constant 5.000000e-01 : f32
    %mul3A_25 = vector.broadcast %mul3A : f32 to vector<1x24576xf32>
    %mul3A_26 = arith.mulf %slice3A_23, %mul3A_25 : vector<1x24576xf32>
    %sub3A = arith.subf %slice3A, %mul3A_26 : vector<1x24576xf32>
    %mul3A_27 = arith.constant 5.000000e-01 : f32
    %mul3A_28 = vector.broadcast %mul3A_27 : f32 to vector<1x24576xf32>
    %mul3A_29 = arith.mulf %slice3A_24, %mul3A_28 : vector<1x24576xf32>
    %sub3A_30 = arith.subf %slice3A_22, %mul3A_29 : vector<1x24576xf32>
    %mul3A_31 = arith.constant 5.000000e-01 : f32
    %mul3A_32 = vector.broadcast %mul3A_31 : f32 to vector<1x24576xf32>
    %mul3A_33 = arith.mulf %slice3A_23, %mul3A_32 : vector<1x24576xf32>
    %add3A = arith.addf %slice3A, %mul3A_33 : vector<1x24576xf32>
    %mul3A_34 = arith.constant 5.000000e-01 : f32
    %mul3A_35 = vector.broadcast %mul3A_34 : f32 to vector<1x24576xf32>
    %mul3A_36 = arith.mulf %slice3A_24, %mul3A_35 : vector<1x24576xf32>
    %add3A_37 = arith.addf %slice3A_22, %mul3A_36 : vector<1x24576xf32>
    %slice3A_38 = vector.extract_strided_slice %get3A_6 {offsets = [0, 0], sizes = [24, 1], strides = [1, 1]} : vector<24x4xf32> to vector<24x1xf32>
    %slice3A_39 = vector.extract_strided_slice %get3A_6 {offsets = [0, 1], sizes = [24, 1], strides = [1, 1]} : vector<24x4xf32> to vector<24x1xf32>
    %slice3A_40 = vector.extract_strided_slice %get3A_6 {offsets = [0, 2], sizes = [24, 1], strides = [1, 1]} : vector<24x4xf32> to vector<24x1xf32>
    %slice3A_41 = vector.extract_strided_slice %get3A_6 {offsets = [0, 3], sizes = [24, 1], strides = [1, 1]} : vector<24x4xf32> to vector<24x1xf32>
    %min3A = vector.broadcast %slice3A_40 : vector<24x1xf32> to vector<24x24576xf32>
    %min3A_42 = vector.broadcast %add3A : vector<1x24576xf32> to vector<24x24576xf32>
    %min3A_43 = arith.minimumf %min3A, %min3A_42 : vector<24x24576xf32>
    %max3A = vector.broadcast %slice3A_38 : vector<24x1xf32> to vector<24x24576xf32>
    %max3A_44 = vector.broadcast %sub3A : vector<1x24576xf32> to vector<24x24576xf32>
    %max3A_45 = arith.maximumf %max3A, %max3A_44 : vector<24x24576xf32>
    %sub3A_46 = arith.subf %min3A_43, %max3A_45 : vector<24x24576xf32>
    %jit3A = arith.constant 0.000000e+00 : f32
    %max3A_47 = vector.broadcast %jit3A : f32 to vector<24x24576xf32>
    %max3A_48 = arith.maximumf %max3A_47, %sub3A_46 : vector<24x24576xf32>
    %min3A_49 = vector.broadcast %slice3A_41 : vector<24x1xf32> to vector<24x24576xf32>
    %min3A_50 = vector.broadcast %add3A_37 : vector<1x24576xf32> to vector<24x24576xf32>
    %min3A_51 = arith.minimumf %min3A_49, %min3A_50 : vector<24x24576xf32>
    %max3A_52 = vector.broadcast %slice3A_39 : vector<24x1xf32> to vector<24x24576xf32>
    %max3A_53 = vector.broadcast %sub3A_30 : vector<1x24576xf32> to vector<24x24576xf32>
    %max3A_54 = arith.maximumf %max3A_52, %max3A_53 : vector<24x24576xf32>
    %sub3A_55 = arith.subf %min3A_51, %max3A_54 : vector<24x24576xf32>
    %jit3A_56 = arith.constant 0.000000e+00 : f32
    %max3A_57 = vector.broadcast %jit3A_56 : f32 to vector<24x24576xf32>
    %max3A_58 = arith.maximumf %max3A_57, %sub3A_55 : vector<24x24576xf32>
    %mul3A_59 = arith.mulf %max3A_48, %max3A_58 : vector<24x24576xf32>
    %sub3A_60 = arith.subf %slice3A_40, %slice3A_38 : vector<24x1xf32>
    %sub3A_61 = arith.subf %slice3A_41, %slice3A_39 : vector<24x1xf32>
    %mul3A_62 = arith.mulf %sub3A_60, %sub3A_61 : vector<24x1xf32>
    %sub3A_63 = arith.subf %add3A, %sub3A : vector<1x24576xf32>
    %sub3A_64 = arith.subf %add3A_37, %sub3A_30 : vector<1x24576xf32>
    %mul3A_65 = arith.mulf %sub3A_63, %sub3A_64 : vector<1x24576xf32>
    %add3A_66 = vector.broadcast %mul3A_62 : vector<24x1xf32> to vector<24x24576xf32>
    %add3A_67 = vector.broadcast %mul3A_65 : vector<1x24576xf32> to vector<24x24576xf32>
    %add3A_68 = arith.addf %add3A_66, %add3A_67 : vector<24x24576xf32>
    %sub3A_69 = arith.subf %add3A_68, %mul3A_59 : vector<24x24576xf32>
    %div3A = arith.divf %mul3A_59, %sub3A_69 : vector<24x24576xf32>
    %iota3A = tpu.iota {dimensions = array<i32: 1>} : vector<1x24576xi32>
    %lt3A = arith.constant 24564 : i32
    %lt3A_70 = vector.broadcast %lt3A : i32 to vector<1x24576xi32>
    %lt3A_71 = arith.cmpi slt, %iota3A, %lt3A_70 : vector<1x24576xi32>
    %jit3A_72 = arith.constant -1.000000e+00 : f32
    %broadcast_in_dim3A = vector.shape_cast %lt3A_71 : vector<1x24576xi1> to vector<1x24576xi1>
    %broadcast_in_dim3A_73 = vector.broadcast %broadcast_in_dim3A : vector<1x24576xi1> to vector<24x24576xi1>
    %broadcast_in_dim3A_74 = vector.broadcast %jit3A_72 : f32 to vector<24x24576xf32>
    %select_n3A = arith.select %broadcast_in_dim3A_73, %div3A, %broadcast_in_dim3A_74 : vector<24x24576xi1>, vector<24x24576xf32>
    %iota3A_75 = tpu.iota {dimensions = array<i32: 0>} : vector<24x24576xi32>
    %iota3A_76 = tpu.iota {dimensions = array<i32: 1>} : vector<24x24576xi32>
    %reduce_max3A = arith.constant dense<0xFF800000> : vector<24576xf32>
    %reduce_max3A_77 = vector.multi_reduction <maximumf>, %select_n3A, %reduce_max3A [0] : vector<24x24576xf32> to vector<24576xf32>
    %broadcast_in_dim3A_78 = vector.shape_cast %reduce_max3A_77 : vector<24576xf32> to vector<1x24576xf32>
    %ge3A = vector.broadcast %broadcast_in_dim3A_78 : vector<1x24576xf32> to vector<24x24576xf32>
    %ge3A_79 = arith.cmpf oge, %select_n3A, %ge3A : vector<24x24576xf32>
    %jit3A_80 = arith.constant 24 : i32
    %broadcast_in_dim3A_81 = vector.broadcast %jit3A_80 : i32 to vector<24x24576xi32>
    %select_n3A_82 = arith.select %ge3A_79, %iota3A_75, %broadcast_in_dim3A_81 : vector<24x24576xi1>, vector<24x24576xi32>
    %reduce_min3A = arith.constant dense<2147483647> : vector<24576xi32>
    %reduce_min3A_83 = vector.multi_reduction <minsi>, %select_n3A_82, %reduce_min3A [0] : vector<24x24576xi32> to vector<24576xi32>
    %broadcast_in_dim3A_84 = vector.shape_cast %reduce_min3A_83 : vector<24576xi32> to vector<1x24576xi32>
    %reduce_max3A_85 = arith.constant dense<0xFF800000> : vector<24xf32>
    %reduce_max3A_86 = vector.multi_reduction <maximumf>, %select_n3A, %reduce_max3A_85 [1] : vector<24x24576xf32> to vector<24xf32>
    %broadcast_in_dim3A_87 = vector.shape_cast %reduce_max3A_86 : vector<24xf32> to vector<24x1xf32>
    %ge3A_88 = vector.broadcast %broadcast_in_dim3A_87 : vector<24x1xf32> to vector<24x24576xf32>
    %ge3A_89 = arith.cmpf oge, %select_n3A, %ge3A_88 : vector<24x24576xf32>
    %jit3A_90 = arith.constant 24576 : i32
    %broadcast_in_dim3A_91 = vector.broadcast %jit3A_90 : i32 to vector<24x24576xi32>
    %select_n3A_92 = arith.select %ge3A_89, %iota3A_76, %broadcast_in_dim3A_91 : vector<24x24576xi1>, vector<24x24576xi32>
    %reduce_min3A_93 = arith.constant dense<2147483647> : vector<24xi32>
    %reduce_min3A_94 = vector.multi_reduction <minsi>, %select_n3A_92, %reduce_min3A_93 [1] : vector<24x24576xi32> to vector<24xi32>
    %broadcast_in_dim3A_95 = vector.shape_cast %reduce_min3A_94 : vector<24xi32> to vector<24x1xi32>
    %eq3A = vector.broadcast %iota3A : vector<1x24576xi32> to vector<24x24576xi32>
    %eq3A_96 = vector.broadcast %broadcast_in_dim3A_95 : vector<24x1xi32> to vector<24x24576xi32>
    %eq3A_97 = arith.cmpi eq, %eq3A, %eq3A_96 : vector<24x24576xi32>
    %jit3A_98 = arith.constant -1 : i32
    %broadcast_in_dim3A_99 = vector.broadcast %jit3A_98 : i32 to vector<24x24576xi32>
    %select_n3A_100 = arith.select %eq3A_97, %iota3A_75, %broadcast_in_dim3A_99 : vector<24x24576xi1>, vector<24x24576xi32>
    %reduce_max3A_101 = arith.constant dense<-2147483648> : vector<24576xi32>
    %reduce_max3A_102 = vector.multi_reduction <maxsi>, %select_n3A_100, %reduce_max3A_101 [0] : vector<24x24576xi32> to vector<24576xi32>
    %broadcast_in_dim3A_103 = vector.shape_cast %reduce_max3A_102 : vector<24576xi32> to vector<1x24576xi32>
    %ge3A_104 = arith.constant 0 : i32
    %ge3A_105 = vector.broadcast %ge3A_104 : i32 to vector<1x24576xi32>
    %ge3A_106 = arith.cmpi sge, %broadcast_in_dim3A_103, %ge3A_105 : vector<1x24576xi32>
    %select_n3A_107 = arith.select %ge3A_106, %broadcast_in_dim3A_103, %broadcast_in_dim3A_84 : vector<1x24576xi1>, vector<1x24576xi32>
    %ge3A_108 = arith.constant 0 : i32
    %ge3A_109 = vector.broadcast %ge3A_108 : i32 to vector<1x24576xi32>
    %ge3A_110 = arith.cmpi sge, %broadcast_in_dim3A_103, %ge3A_109 : vector<1x24576xi32>
    %jit3A_111 = arith.constant 2.000000e+00 : f32
    %broadcast_in_dim3A_112 = vector.broadcast %jit3A_111 : f32 to vector<1x24576xf32>
    %select_n3A_113 = arith.select %ge3A_110, %broadcast_in_dim3A_112, %broadcast_in_dim3A_78 : vector<1x24576xi1>, vector<1x24576xf32>
    %eq3A_114 = vector.broadcast %select_n3A_107 : vector<1x24576xi32> to vector<24x24576xi32>
    %eq3A_115 = arith.cmpi eq, %eq3A_114, %iota3A_75 : vector<24x24576xi32>
    %convert_element_type3A = arith.extui %eq3A_115 : vector<24x24576xi1> to vector<24x24576xi32>
    %convert_element_type3A_116 = arith.sitofp %convert_element_type3A : vector<24x24576xi32> to vector<24x24576xf32>
    %convert_element_type3A_117 = arith.sitofp %get3A_16 : vector<1x24xi32> to vector<1x24xf32>
    %broadcast_in_dim3A_118 = arith.constant 0.000000e+00 : f32
    %broadcast_in_dim3A_119 = vector.broadcast %broadcast_in_dim3A_118 : f32 to vector<3x24xf32>
    %concatenate3A = tpu.concatenate %get3A_11, %convert_element_type3A_117, %broadcast_in_dim3A_119 in 0 : vector<4x24xf32>, vector<1x24xf32>, vector<3x24xf32> -> vector<8x24xf32>
    %dot_general3A = arith.constant dense<0.000000e+00> : vector<8x24576xf32>
    %dot_general3A_120 = tpu.matmul %concatenate3A, %convert_element_type3A_116, %dot_general3A {dimension_numbers = #tpu.dot_dimension_numbers<[1], [0], [0], [1], [0, 0, 1, 1], [], []>, transpose_lhs_hint = false} : vector<8x24xf32>, vector<24x24576xf32>, vector<8x24576xf32> -> vector<8x24576xf32>
    %slice3A_121 = vector.extract_strided_slice %dot_general3A_120 {offsets = [0, 0], sizes = [1, 24576], strides = [1, 1]} : vector<8x24576xf32> to vector<1x24576xf32>
    %slice3A_122 = vector.extract_strided_slice %dot_general3A_120 {offsets = [1, 0], sizes = [1, 24576], strides = [1, 1]} : vector<8x24576xf32> to vector<1x24576xf32>
    %slice3A_123 = vector.extract_strided_slice %dot_general3A_120 {offsets = [2, 0], sizes = [1, 24576], strides = [1, 1]} : vector<8x24576xf32> to vector<1x24576xf32>
    %slice3A_124 = vector.extract_strided_slice %dot_general3A_120 {offsets = [3, 0], sizes = [1, 24576], strides = [1, 1]} : vector<8x24576xf32> to vector<1x24576xf32>
    %slice3A_125 = vector.extract_strided_slice %dot_general3A_120 {offsets = [4, 0], sizes = [1, 24576], strides = [1, 1]} : vector<8x24576xf32> to vector<1x24576xf32>
    %lt3A_126 = arith.constant 5.000000e-01 : f32
    %lt3A_127 = vector.broadcast %lt3A_126 : f32 to vector<1x24576xf32>
    %lt3A_128 = arith.cmpf olt, %select_n3A_113, %lt3A_127 : vector<1x24576xf32>
    %add3A_129 = arith.constant 5.000000e-01 : f32
    %add3A_130 = vector.broadcast %add3A_129 : f32 to vector<1x24576xf32>
    %add3A_131 = arith.addf %slice3A_125, %add3A_130 : vector<1x24576xf32>
    %convert_element_type3A_132 = arith.fptosi %add3A_131 : vector<1x24576xf32> to vector<1x24576xi32>
    %jit3A_133 = arith.constant 0 : i32
    %broadcast_in_dim3A_134 = vector.broadcast %jit3A_133 : i32 to vector<1x24576xi32>
    %select_n3A_135 = arith.select %lt3A_128, %broadcast_in_dim3A_134, %convert_element_type3A_132 : vector<1x24576xi1>, vector<1x24576xi32>
    %gt3A = arith.constant 0 : i32
    %gt3A_136 = vector.broadcast %gt3A : i32 to vector<1x24576xi32>
    %gt3A_137 = arith.cmpi sgt, %select_n3A_135, %gt3A_136 : vector<1x24576xi32>
    %min3A_138 = arith.constant 24563 : i32
    %min3A_139 = vector.broadcast %min3A_138 : i32 to vector<1x24576xi32>
    %min3A_140 = arith.minsi %iota3A, %min3A_139 : vector<1x24576xi32>
    %mul3A_141 = arith.constant 24564 : i32
    %mul3A_142 = arith.muli %arg0, %mul3A_141 : i32
    %add3A_143 = vector.broadcast %mul3A_142 : i32 to vector<1x24576xi32>
    %add3A_144 = arith.addi %add3A_143, %min3A_140 : vector<1x24576xi32>
    %mul3A_145 = arith.constant 81 : i32
    %mul3A_146 = vector.broadcast %mul3A_145 : i32 to vector<1x24576xi32>
    %mul3A_147 = arith.muli %add3A_144, %mul3A_146 : vector<1x24576xi32>
    %add3A_148 = arith.addi %mul3A_147, %select_n3A_135 : vector<1x24576xi32>
    %reshape3A = vector.shape_cast %add3A_148 : vector<1x24576xi32> to vector<1x1x24576xi32>
    %swap3A = arith.constant 0 : index
    %swap3A_149 = arith.constant 0 : index
    %swap3A_150 = arith.constant 0 : index
    %swap3A_151 = vector.load %arg10[%swap3A, %swap3A_149, %swap3A_150] : memref<1x1x24576xi32, #tpu.memory_space<vmem>>, vector<1x1x24576xi32>
    tpu.vector_store %arg10[%swap3A, %swap3A_149, %swap3A_150], %reshape3A {strides = array<i32>} : memref<1x1x24576xi32, #tpu.memory_space<vmem>>, vector<1x1x24576xi32>,
    %add3A_152 = arith.addf %slice3A_121, %slice3A_123 : vector<1x24576xf32>
    %mul3A_153 = arith.constant 5.000000e-01 : f32
    %mul3A_154 = vector.broadcast %mul3A_153 : f32 to vector<1x24576xf32>
    %mul3A_155 = arith.mulf %add3A_152, %mul3A_154 : vector<1x24576xf32>
    %sub3A_156 = arith.subf %mul3A_155, %slice3A : vector<1x24576xf32>
    %mul3A_157 = arith.constant 1.000000e-01 : f32
    %mul3A_158 = vector.broadcast %mul3A_157 : f32 to vector<1x24576xf32>
    %mul3A_159 = arith.mulf %mul3A_158, %slice3A_23 : vector<1x24576xf32>
    %div3A_160 = arith.divf %sub3A_156, %mul3A_159 : vector<1x24576xf32>
    %add3A_161 = arith.addf %slice3A_122, %slice3A_124 : vector<1x24576xf32>
    %mul3A_162 = arith.constant 5.000000e-01 : f32
    %mul3A_163 = vector.broadcast %mul3A_162 : f32 to vector<1x24576xf32>
    %mul3A_164 = arith.mulf %add3A_161, %mul3A_163 : vector<1x24576xf32>
    %sub3A_165 = arith.subf %mul3A_164, %slice3A_22 : vector<1x24576xf32>
    %mul3A_166 = arith.constant 1.000000e-01 : f32
    %mul3A_167 = vector.broadcast %mul3A_166 : f32 to vector<1x24576xf32>
    %mul3A_168 = arith.mulf %mul3A_167, %slice3A_24 : vector<1x24576xf32>
    %div3A_169 = arith.divf %sub3A_165, %mul3A_168 : vector<1x24576xf32>
    %sub3A_170 = arith.subf %slice3A_123, %slice3A_121 : vector<1x24576xf32>
    %div3A_171 = arith.divf %sub3A_170, %slice3A_23 : vector<1x24576xf32>
    %jit3A_172 = arith.constant 1.000000e+00 : f32
    %broadcast_in_dim3A_173 = vector.broadcast %jit3A_172 : f32 to vector<1x24576xf32>
    %select_n3A_174 = arith.select %gt3A_137, %div3A_171, %broadcast_in_dim3A_173 : vector<1x24576xi1>, vector<1x24576xf32>
    %sub3A_175 = arith.subf %slice3A_124, %slice3A_122 : vector<1x24576xf32>
    %div3A_176 = arith.divf %sub3A_175, %slice3A_24 : vector<1x24576xf32>
    %jit3A_177 = arith.constant 1.000000e+00 : f32
    %broadcast_in_dim3A_178 = vector.broadcast %jit3A_177 : f32 to vector<1x24576xf32>
    %select_n3A_179 = arith.select %gt3A_137, %div3A_176, %broadcast_in_dim3A_178 : vector<1x24576xi1>, vector<1x24576xf32>
    %log3A = math.log %select_n3A_174 : vector<1x24576xf32>
    %div3A_180 = arith.constant 2.000000e-01 : f32
    %div3A_181 = vector.broadcast %div3A_180 : f32 to vector<1x24576xf32>
    %div3A_182 = arith.divf %log3A, %div3A_181 : vector<1x24576xf32>
    %log3A_183 = math.log %select_n3A_179 : vector<1x24576xf32>
    %div3A_184 = arith.constant 2.000000e-01 : f32
    %div3A_185 = vector.broadcast %div3A_184 : f32 to vector<1x24576xf32>
    %div3A_186 = arith.divf %log3A_183, %div3A_185 : vector<1x24576xf32>
    %slice3A_187 = vector.extract_strided_slice %get3A_21 {offsets = [0, 0], sizes = [1, 24576], strides = [1, 1]} : vector<4x24576xf32> to vector<1x24576xf32>
    %sub3A_188 = arith.subf %slice3A_187, %div3A_160 : vector<1x24576xf32>
    %abs3A = math.absf %sub3A_188 : vector<1x24576xf32>
    %lt3A_189 = arith.constant 1.000000e+00 : f32
    %lt3A_190 = vector.broadcast %lt3A_189 : f32 to vector<1x24576xf32>
    %lt3A_191 = arith.cmpf olt, %abs3A, %lt3A_190 : vector<1x24576xf32>
    %mul3A_192 = arith.constant 5.000000e-01 : f32
    %mul3A_193 = vector.broadcast %mul3A_192 : f32 to vector<1x24576xf32>
    %mul3A_194 = arith.mulf %mul3A_193, %sub3A_188 : vector<1x24576xf32>
    %mul3A_195 = arith.mulf %mul3A_194, %sub3A_188 : vector<1x24576xf32>
    %sub3A_196 = arith.constant 5.000000e-01 : f32
    %sub3A_197 = vector.broadcast %sub3A_196 : f32 to vector<1x24576xf32>
    %sub3A_198 = arith.subf %abs3A, %sub3A_197 : vector<1x24576xf32>
    %select_n3A_199 = arith.select %lt3A_191, %mul3A_195, %sub3A_198 : vector<1x24576xi1>, vector<1x24576xf32>
    %slice3A_200 = vector.extract_strided_slice %get3A_21 {offsets = [1, 0], sizes = [1, 24576], strides = [1, 1]} : vector<4x24576xf32> to vector<1x24576xf32>
    %sub3A_201 = arith.subf %slice3A_200, %div3A_169 : vector<1x24576xf32>
    %abs3A_202 = math.absf %sub3A_201 : vector<1x24576xf32>
    %lt3A_203 = arith.constant 1.000000e+00 : f32
    %lt3A_204 = vector.broadcast %lt3A_203 : f32 to vector<1x24576xf32>
    %lt3A_205 = arith.cmpf olt, %abs3A_202, %lt3A_204 : vector<1x24576xf32>
    %mul3A_206 = arith.constant 5.000000e-01 : f32
    %mul3A_207 = vector.broadcast %mul3A_206 : f32 to vector<1x24576xf32>
    %mul3A_208 = arith.mulf %mul3A_207, %sub3A_201 : vector<1x24576xf32>
    %mul3A_209 = arith.mulf %mul3A_208, %sub3A_201 : vector<1x24576xf32>
    %sub3A_210 = arith.constant 5.000000e-01 : f32
    %sub3A_211 = vector.broadcast %sub3A_210 : f32 to vector<1x24576xf32>
    %sub3A_212 = arith.subf %abs3A_202, %sub3A_211 : vector<1x24576xf32>
    %select_n3A_213 = arith.select %lt3A_205, %mul3A_209, %sub3A_212 : vector<1x24576xi1>, vector<1x24576xf32>
    %add3A_214 = arith.addf %select_n3A_199, %select_n3A_213 : vector<1x24576xf32>
    %slice3A_215 = vector.extract_strided_slice %get3A_21 {offsets = [2, 0], sizes = [1, 24576], strides = [1, 1]} : vector<4x24576xf32> to vector<1x24576xf32>
    %sub3A_216 = arith.subf %slice3A_215, %div3A_182 : vector<1x24576xf32>
    %abs3A_217 = math.absf %sub3A_216 : vector<1x24576xf32>
    %lt3A_218 = arith.constant 1.000000e+00 : f32
    %lt3A_219 = vector.broadcast %lt3A_218 : f32 to vector<1x24576xf32>
    %lt3A_220 = arith.cmpf olt, %abs3A_217, %lt3A_219 : vector<1x24576xf32>
    %mul3A_221 = arith.constant 5.000000e-01 : f32
    %mul3A_222 = vector.broadcast %mul3A_221 : f32 to vector<1x24576xf32>
    %mul3A_223 = arith.mulf %mul3A_222, %sub3A_216 : vector<1x24576xf32>
    %mul3A_224 = arith.mulf %mul3A_223, %sub3A_216 : vector<1x24576xf32>
    %sub3A_225 = arith.constant 5.000000e-01 : f32
    %sub3A_226 = vector.broadcast %sub3A_225 : f32 to vector<1x24576xf32>
    %sub3A_227 = arith.subf %abs3A_217, %sub3A_226 : vector<1x24576xf32>
    %select_n3A_228 = arith.select %lt3A_220, %mul3A_224, %sub3A_227 : vector<1x24576xi1>, vector<1x24576xf32>
    %add3A_229 = arith.addf %add3A_214, %select_n3A_228 : vector<1x24576xf32>
    %slice3A_230 = vector.extract_strided_slice %get3A_21 {offsets = [3, 0], sizes = [1, 24576], strides = [1, 1]} : vector<4x24576xf32> to vector<1x24576xf32>
    %sub3A_231 = arith.subf %slice3A_230, %div3A_186 : vector<1x24576xf32>
    %abs3A_232 = math.absf %sub3A_231 : vector<1x24576xf32>
    %lt3A_233 = arith.constant 1.000000e+00 : f32
    %lt3A_234 = vector.broadcast %lt3A_233 : f32 to vector<1x24576xf32>
    %lt3A_235 = arith.cmpf olt, %abs3A_232, %lt3A_234 : vector<1x24576xf32>
    %mul3A_236 = arith.constant 5.000000e-01 : f32
    %mul3A_237 = vector.broadcast %mul3A_236 : f32 to vector<1x24576xf32>
    %mul3A_238 = arith.mulf %mul3A_237, %sub3A_231 : vector<1x24576xf32>
    %mul3A_239 = arith.mulf %mul3A_238, %sub3A_231 : vector<1x24576xf32>
    %sub3A_240 = arith.constant 5.000000e-01 : f32
    %sub3A_241 = vector.broadcast %sub3A_240 : f32 to vector<1x24576xf32>
    %sub3A_242 = arith.subf %abs3A_232, %sub3A_241 : vector<1x24576xf32>
    %select_n3A_243 = arith.select %lt3A_235, %mul3A_239, %sub3A_242 : vector<1x24576xi1>, vector<1x24576xf32>
    %add3A_244 = arith.addf %add3A_229, %select_n3A_243 : vector<1x24576xf32>
    %jit3A_245 = arith.constant 0.000000e+00 : f32
    %broadcast_in_dim3A_246 = vector.broadcast %jit3A_245 : f32 to vector<1x24576xf32>
    %select_n3A_247 = arith.select %gt3A_137, %add3A_244, %broadcast_in_dim3A_246 : vector<1x24576xi1>, vector<1x24576xf32>
    %reduce_sum3A = vector.shape_cast %select_n3A_247 : vector<1x24576xf32> to vector<1x1x24576xf32>
    %reduce_sum3A_248 = arith.constant dense<0.000000e+00> : vector<1xf32>
    %reduce_sum3A_249 = vector.multi_reduction <add>, %reduce_sum3A, %reduce_sum3A_248 [1, 2] : vector<1x1x24576xf32> to vector<1xf32>
    %reduce_sum3A_250 = vector.shape_cast %reduce_sum3A_249 : vector<1xf32> to vector<1x1x1xf32>
    %reduce_sum3A_251 = vector.extract %reduce_sum3A_250[0, 0, 0] : f32 from vector<1x1x1xf32>
    %jit3A_252 = arith.constant 1 : i32
    %jit3A_253 = arith.constant 0 : i32
    %broadcast_in_dim3A_254 = vector.broadcast %jit3A_252 : i32 to vector<1x24576xi32>
    %broadcast_in_dim3A_255 = vector.broadcast %jit3A_253 : i32 to vector<1x24576xi32>
    %select_n3A_256 = arith.select %gt3A_137, %broadcast_in_dim3A_254, %broadcast_in_dim3A_255 : vector<1x24576xi1>, vector<1x24576xi32>
    %reduce_sum3A_257 = vector.shape_cast %select_n3A_256 : vector<1x24576xi32> to vector<1x1x24576xi32>
    %reduce_sum3A_258 = arith.constant dense<0> : vector<1xi32>
    %reduce_sum3A_259 = vector.multi_reduction <add>, %reduce_sum3A_257, %reduce_sum3A_258 [1, 2] : vector<1x1x24576xi32> to vector<1xi32>
    %reduce_sum3A_260 = vector.shape_cast %reduce_sum3A_259 : vector<1xi32> to vector<1x1x1xi32>
    %reduce_sum3A_261 = vector.extract %reduce_sum3A_260[0, 0, 0] : i32 from vector<1x1x1xi32>
    %reshape3A_262 = vector.shape_cast %select_n3A_135 : vector<1x24576xi32> to vector<1x1x24576xi32>
    %swap3A_263 = arith.constant 0 : index
    %swap3A_264 = arith.constant 0 : index
    %swap3A_265 = arith.constant 0 : index
    %swap3A_266 = vector.load %arg6[%swap3A_263, %swap3A_264, %swap3A_265] : memref<1x1x24576xi32, #tpu.memory_space<vmem>>, vector<1x1x24576xi32>
    tpu.vector_store %arg6[%swap3A_263, %swap3A_264, %swap3A_265], %reshape3A_262 {strides = array<i32>} : memref<1x1x24576xi32, #tpu.memory_space<vmem>>, vector<1x1x24576xi32>,
    %convert_element_type3A_267 = arith.extui %gt3A_137 : vector<1x24576xi1> to vector<1x24576xi32>
    %convert_element_type3A_268 = arith.sitofp %convert_element_type3A_267 : vector<1x24576xi32> to vector<1x24576xf32>
    %reshape3A_269 = vector.shape_cast %convert_element_type3A_268 : vector<1x24576xf32> to vector<1x1x24576xf32>
    %swap3A_270 = arith.constant 0 : index
    %swap3A_271 = arith.constant 0 : index
    %swap3A_272 = arith.constant 0 : index
    %swap3A_273 = vector.load %arg7[%swap3A_270, %swap3A_271, %swap3A_272] : memref<1x1x24576xf32, #tpu.memory_space<vmem>>, vector<1x1x24576xf32>
    tpu.vector_store %arg7[%swap3A_270, %swap3A_271, %swap3A_272], %reshape3A_269 {strides = array<i32>} : memref<1x1x24576xf32, #tpu.memory_space<vmem>>, vector<1x1x24576xf32>,
    %reshape3A_274 = vector.broadcast %reduce_sum3A_261 : i32 to vector<1x1x1xi32>
    %swap3A_275 = arith.constant 0 : index
    %swap3A_276 = arith.constant 0 : index
    %swap3A_277 = arith.constant 0 : index
    %swap3A_278 = vector.load %arg8[%swap3A_275, %swap3A_276, %swap3A_277] : memref<1x1x1xi32, #tpu.memory_space<vmem>>, vector<1x1x1xi32>
    tpu.vector_store %arg8[%swap3A_275, %swap3A_276, %swap3A_277], %reshape3A_274 {strides = array<i32>} : memref<1x1x1xi32, #tpu.memory_space<vmem>>, vector<1x1x1xi32>,
    %reshape3A_279 = vector.broadcast %reduce_sum3A_251 : f32 to vector<1x1x1xf32>
    %swap3A_280 = arith.constant 0 : index
    %swap3A_281 = arith.constant 0 : index
    %swap3A_282 = arith.constant 0 : index
    %swap3A_283 = vector.load %arg9[%swap3A_280, %swap3A_281, %swap3A_282] : memref<1x1x1xf32, #tpu.memory_space<vmem>>, vector<1x1x1xf32>
    tpu.vector_store %arg9[%swap3A_280, %swap3A_281, %swap3A_282], %reshape3A_279 {strides = array<i32>} : memref<1x1x1xf32, #tpu.memory_space<vmem>>, vector<1x1x1xf32>,
    return
  }
  func.func @transform_0(%arg0: i32) -> (i32, i32) {
    %c0_i32 = arith.constant 0 : i32
    %c0_i32_0 = arith.constant 0 : i32
    %c0_i32_1 = arith.constant 0 : i32
    return %c0_i32, %c0_i32_0 : i32, i32
  }
  func.func @transform_1(%arg0: i32) -> (i32, i32, i32) {
    %c0_i32 = arith.constant 0 : i32
    %c0_i32_0 = arith.constant 0 : i32
    %c0_i32_1 = arith.constant 0 : i32
    return %arg0, %c0_i32, %c0_i32_0 : i32, i32, i32
  }
  func.func @transform_2(%arg0: i32) -> (i32, i32, i32) {
    %c0_i32 = arith.constant 0 : i32
    %c0_i32_0 = arith.constant 0 : i32
    %c0_i32_1 = arith.constant 0 : i32
    return %arg0, %c0_i32, %c0_i32_0 : i32, i32, i32
  }
  func.func @transform_3(%arg0: i32) -> (i32, i32, i32) {
    %c0_i32 = arith.constant 0 : i32
    %c0_i32_0 = arith.constant 0 : i32
    %c0_i32_1 = arith.constant 0 : i32
    return %arg0, %c0_i32, %c0_i32_0 : i32, i32, i32
  }
  func.func @transform_4(%arg0: i32) -> (i32, i32, i32) {
    %c0_i32 = arith.constant 0 : i32
    %c0_i32_0 = arith.constant 0 : i32
    %c0_i32_1 = arith.constant 0 : i32
    return %arg0, %c0_i32, %c0_i32_0 : i32, i32, i32
  }
  func.func @transform_5(%arg0: i32) -> (i32, i32, i32) {
    %c0_i32 = arith.constant 0 : i32
    %c0_i32_0 = arith.constant 0 : i32
    %c0_i32_1 = arith.constant 0 : i32
    return %arg0, %c0_i32, %c0_i32_0 : i32, i32, i32
  }
  func.func @transform_6(%arg0: i32) -> (i32, i32, i32) {
    %c0_i32 = arith.constant 0 : i32
    %c0_i32_0 = arith.constant 0 : i32
    %c0_i32_1 = arith.constant 0 : i32
    return %arg0, %c0_i32, %c0_i32_0 : i32, i32, i32
  }
  func.func @transform_7(%arg0: i32) -> (i32, i32, i32) {
    %c0_i32 = arith.constant 0 : i32
    %c0_i32_0 = arith.constant 0 : i32
    %c0_i32_1 = arith.constant 0 : i32
    return %arg0, %c0_i32, %c0_i32_0 : i32, i32, i32
  }
  func.func @transform_8(%arg0: i32) -> (i32, i32, i32) {
    %c0_i32 = arith.constant 0 : i32
    %c0_i32_0 = arith.constant 0 : i32
    %c0_i32_1 = arith.constant 0 : i32
    return %arg0, %c0_i32, %c0_i32_0 : i32, i32, i32
  }
  func.func @transform_9(%arg0: i32) -> (i32, i32, i32) {
    %c0_i32 = arith.constant 0 : i32
    %c0_i32_0 = arith.constant 0 : i32
    %c0_i32_1 = arith.constant 0 : i32
    return %arg0, %c0_i32, %c0_i32_0 : i32, i32, i32
  }
}

module attributes {stable_mosaic.version = 14 : i64} {
  func.func @_se_body(%arg0: i32, %arg1: i32, %arg2: memref<1x4096x81xf32, #tpu.memory_space<vmem>>, %arg3: memref<1x1x4096xf32, #tpu.memory_space<vmem>>) attributes {dimension_semantics = [#tpu.dimension_semantics<arbitrary>, #tpu.dimension_semantics<arbitrary>], iteration_bounds = array<i64: 16, 6>, scalar_prefetch = 0 : i64, scratch_operands = 0 : i64, tpu.core_type = #tpu.core_type<tc>, window_params = [{transform_indices = @transform_0, window_bounds = array<i64: 1, 4096, 81>}, {transform_indices = @transform_1, window_bounds = array<i64: 1, 1, 4096>}]} {
    %get3A = arith.constant 0 : index
    %get3A_0 = arith.constant 0 : index
    %get3A_1 = arith.constant 0 : index
    %get3A_2 = vector.load %arg2[%get3A, %get3A_0, %get3A_1] : memref<1x4096x81xf32, #tpu.memory_space<vmem>>, vector<1x4096x81xf32>
    %get3A_3 = vector.shape_cast %get3A_2 : vector<1x4096x81xf32> to vector<4096x81xf32>
    %broadcast_in_dim3A = arith.constant 1.000000e+00 : f32
    %broadcast_in_dim3A_4 = vector.broadcast %broadcast_in_dim3A : f32 to vector<1x81xf32>
    %exp3A = math.exp %get3A_3 : vector<4096x81xf32>
    %dot_general3A = arith.constant dense<0.000000e+00> : vector<1x4096xf32>
    %dot_general3A_5 = tpu.matmul %broadcast_in_dim3A_4, %exp3A, %dot_general3A {dimension_numbers = #tpu.dot_dimension_numbers<[1], [1], [0], [0], [0, 0, 1, 0], [], []>, transpose_lhs_hint = false} : vector<1x81xf32>, vector<4096x81xf32>, vector<1x4096xf32> -> vector<1x4096xf32>
    %reshape3A = vector.shape_cast %dot_general3A_5 : vector<1x4096xf32> to vector<1x1x4096xf32>
    %swap3A = arith.constant 0 : index
    %swap3A_6 = arith.constant 0 : index
    %swap3A_7 = arith.constant 0 : index
    %swap3A_8 = vector.load %arg3[%swap3A, %swap3A_6, %swap3A_7] : memref<1x1x4096xf32, #tpu.memory_space<vmem>>, vector<1x1x4096xf32>
    tpu.vector_store %arg3[%swap3A, %swap3A_6, %swap3A_7], %reshape3A {strides = array<i32>} : memref<1x1x4096xf32, #tpu.memory_space<vmem>>, vector<1x1x4096xf32>,
    return
  }
  func.func @transform_0(%arg0: i32, %arg1: i32) -> (i32, i32, i32) {
    %c0_i32 = arith.constant 0 : i32
    %c0_i32_0 = arith.constant 0 : i32
    return %arg0, %arg1, %c0_i32 : i32, i32, i32
  }
  func.func @transform_1(%arg0: i32, %arg1: i32) -> (i32, i32, i32) {
    %c0_i32 = arith.constant 0 : i32
    %c0_i32_0 = arith.constant 0 : i32
    return %arg0, %c0_i32, %arg1 : i32, i32, i32
  }
}

module attributes {stable_mosaic.version = 14 : i64} {
  func.func @_select_body(%arg0: memref<16x1x24576xf32, #tpu.memory_space<vmem>>, %arg1: memref<16x24576xf32, #tpu.memory_space<vmem>>, %arg2: memref<16x1x24576xf32, #tpu.memory_space<vmem>>, %arg3: memref<16x1x1xi32, #tpu.memory_space<vmem>>, %arg4: memref<16x1x1xf32, #tpu.memory_space<vmem>>, %arg5: memref<1x1xf32, #tpu.memory_space<vmem>>, %arg6: memref<1x1xf32, #tpu.memory_space<vmem>>, %arg7: memref<1x1xf32, #tpu.memory_space<vmem>>) attributes {dimension_semantics = [], scalar_prefetch = 0 : i64, scratch_operands = 0 : i64, tpu.core_type = #tpu.core_type<tc>} {
    %get3A = arith.constant 0 : index
    %get3A_0 = arith.constant 0 : index
    %get3A_1 = arith.constant 0 : index
    %get3A_2 = vector.load %arg0[%get3A, %get3A_0, %get3A_1] : memref<16x1x24576xf32, #tpu.memory_space<vmem>>, vector<16x1x24576xf32>
    %get3A_3 = vector.shape_cast %get3A_2 : vector<16x1x24576xf32> to vector<16x24576xf32>
    %get3A_4 = arith.constant 0 : index
    %get3A_5 = arith.constant 0 : index
    %get3A_6 = vector.load %arg1[%get3A_4, %get3A_5] : memref<16x24576xf32, #tpu.memory_space<vmem>>, vector<16x24576xf32>
    %get3A_7 = arith.constant 0 : index
    %get3A_8 = arith.constant 0 : index
    %get3A_9 = arith.constant 0 : index
    %get3A_10 = vector.load %arg2[%get3A_7, %get3A_8, %get3A_9] : memref<16x1x24576xf32, #tpu.memory_space<vmem>>, vector<16x1x24576xf32>
    %get3A_11 = vector.shape_cast %get3A_10 : vector<16x1x24576xf32> to vector<16x24576xf32>
    %gt3A = arith.constant 5.000000e-01 : f32
    %gt3A_12 = vector.broadcast %gt3A : f32 to vector<16x24576xf32>
    %gt3A_13 = arith.cmpf ogt, %get3A_11, %gt3A_12 : vector<16x24576xf32>
    %get3A_14 = arith.constant 0 : index
    %get3A_15 = arith.constant 0 : index
    %get3A_16 = arith.constant 0 : index
    %get3A_17 = vector.load %arg3[%get3A_14, %get3A_15, %get3A_16] : memref<16x1x1xi32, #tpu.memory_space<vmem>>, vector<16x1x1xi32>
    %get3A_18 = vector.shape_cast %get3A_17 : vector<16x1x1xi32> to vector<16x1xi32>
    %iota3A = tpu.iota {dimensions = array<i32: 1>} : vector<16x24576xi32>
    %lt3A = arith.constant 24564 : i32
    %lt3A_19 = vector.broadcast %lt3A : i32 to vector<16x24576xi32>
    %lt3A_20 = arith.cmpi slt, %iota3A, %lt3A_19 : vector<16x24576xi32>
    %log3A = math.log %get3A_3 : vector<16x24576xf32>
    %sub3A = arith.subf %log3A, %get3A_6 : vector<16x24576xf32>
    %jit3A = arith.constant 0.000000e+00 : f32
    %broadcast_in_dim3A = vector.broadcast %jit3A : f32 to vector<16x24576xf32>
    %select_n3A = arith.select %lt3A_20, %sub3A, %broadcast_in_dim3A : vector<16x24576xi1>, vector<16x24576xf32>
    %jit3A_21 = arith.constant 0.000000e+00 : f32
    %broadcast_in_dim3A_22 = vector.broadcast %jit3A_21 : f32 to vector<16x24576xf32>
    %select_n3A_23 = arith.select %gt3A_13, %broadcast_in_dim3A_22, %select_n3A : vector<16x24576xi1>, vector<16x24576xf32>
    %max3A = arith.constant 0.000000e+00 : f32
    %max3A_24 = vector.broadcast %max3A : f32 to vector<16x24576xf32>
    %max3A_25 = arith.maximumf %select_n3A_23, %max3A_24 : vector<16x24576xf32>
    %bitcast_convert_type3A = tpu.bitcast %max3A_25 : vector<16x24576xf32> -> vector<16x24576xi32>
    %jit3A_26 = arith.constant -1 : i32
    %broadcast_in_dim3A_27 = vector.broadcast %jit3A_26 : i32 to vector<16x24576xi32>
    %select_n3A_28 = arith.select %lt3A_20, %bitcast_convert_type3A, %broadcast_in_dim3A_27 : vector<16x24576xi1>, vector<16x24576xi32>
    %mul3A = arith.constant 3 : i32
    %mul3A_29 = vector.broadcast %mul3A : i32 to vector<16x1xi32>
    %mul3A_30 = arith.muli %mul3A_29, %get3A_18 : vector<16x1xi32>
    %min3A = arith.constant 24563 : i32
    %min3A_31 = vector.broadcast %min3A : i32 to vector<16x1xi32>
    %min3A_32 = arith.minsi %mul3A_30, %min3A_31 : vector<16x1xi32>
    %broadcast_in_dim3A_33 = arith.constant 0 : i32
    %broadcast_in_dim3A_34 = vector.broadcast %broadcast_in_dim3A_33 : i32 to vector<16x1xi32>
    %broadcast_in_dim3A_35 = arith.constant 2139095040 : i32
    %broadcast_in_dim3A_36 = vector.broadcast %broadcast_in_dim3A_35 : i32 to vector<16x1xi32>
    %scan3A = arith.constant 0 : i32
    %scan3A_37 = arith.constant 31 : i32
    %scan3A_38 = arith.addi %scan3A, %scan3A_37 : i32
    %scan3A_39 = arith.constant 1 : i32
    %scan3A_40:2 = scf.for %scan3A_74 = %scan3A to %scan3A_38 step %scan3A_39 iter_args(%scan3A_75 = %broadcast_in_dim3A_34, %scan3A_76 = %broadcast_in_dim3A_36) -> (vector<16x1xi32>, vector<16x1xi32>)  : i32 {
      %sub3A_77 = arith.subi %scan3A_76, %scan3A_75 : vector<16x1xi32>
      %jit3A_78 = arith.constant 2 : i32
      %div3A_79 = vector.broadcast %jit3A_78 : i32 to vector<16x1xi32>
      %div3A_80 = arith.divsi %sub3A_77, %div3A_79 : vector<16x1xi32>
      %sign3A = arith.constant 0 : i32
      %sign3A_81 = vector.broadcast %sign3A : i32 to vector<16x1xi32>
      %sign3A_82 = arith.cmpi sgt, %sub3A_77, %sign3A_81 : vector<16x1xi32>
      %sign3A_83 = arith.extui %sign3A_82 : vector<16x1xi1> to vector<16x1xi32>
      %sign3A_84 = arith.constant 0 : i32
      %sign3A_85 = vector.broadcast %sign3A_84 : i32 to vector<16x1xi32>
      %sign3A_86 = arith.cmpi slt, %sub3A_77, %sign3A_85 : vector<16x1xi32>
      %sign3A_87 = arith.extui %sign3A_86 : vector<16x1xi1> to vector<16x1xi32>
      %sign3A_88 = arith.subi %sign3A_83, %sign3A_87 : vector<16x1xi32>
      %sign3A_89 = arith.constant 0 : i32
      %sign3A_90 = arith.cmpi sgt, %jit3A_78, %sign3A_89 : i32
      %sign3A_91 = arith.extui %sign3A_90 : i1 to i32
      %sign3A_92 = arith.constant 0 : i32
      %sign3A_93 = arith.cmpi slt, %jit3A_78, %sign3A_92 : i32
      %sign3A_94 = arith.extui %sign3A_93 : i1 to i32
      %sign3A_95 = arith.subi %sign3A_91, %sign3A_94 : i32
      %ne3A = vector.broadcast %sign3A_95 : i32 to vector<16x1xi32>
      %ne3A_96 = arith.cmpi ne, %sign3A_88, %ne3A : vector<16x1xi32>
      %rem3A = vector.broadcast %jit3A_78 : i32 to vector<16x1xi32>
      %rem3A_97 = arith.remsi %sub3A_77, %rem3A : vector<16x1xi32>
      %ne3A_98 = arith.constant 0 : i32
      %ne3A_99 = vector.broadcast %ne3A_98 : i32 to vector<16x1xi32>
      %ne3A_100 = arith.cmpi ne, %rem3A_97, %ne3A_99 : vector<16x1xi32>
      %and3A = arith.andi %ne3A_96, %ne3A_100 : vector<16x1xi1>
      %sub3A_101 = arith.constant 1 : i32
      %sub3A_102 = vector.broadcast %sub3A_101 : i32 to vector<16x1xi32>
      %sub3A_103 = arith.subi %div3A_80, %sub3A_102 : vector<16x1xi32>
      %select_n3A_104 = arith.select %and3A, %sub3A_103, %div3A_80 : vector<16x1xi1>, vector<16x1xi32>
      %add3A_105 = arith.addi %scan3A_75, %select_n3A_104 : vector<16x1xi32>
      %ge3A_106 = vector.broadcast %add3A_105 : vector<16x1xi32> to vector<16x24576xi32>
      %ge3A_107 = arith.cmpi sge, %select_n3A_28, %ge3A_106 : vector<16x24576xi32>
      %jit3A_108 = arith.constant 1 : i32
      %jit3A_109 = arith.constant 0 : i32
      %broadcast_in_dim3A_110 = vector.broadcast %jit3A_108 : i32 to vector<16x24576xi32>
      %broadcast_in_dim3A_111 = vector.broadcast %jit3A_109 : i32 to vector<16x24576xi32>
      %select_n3A_112 = arith.select %ge3A_107, %broadcast_in_dim3A_110, %broadcast_in_dim3A_111 : vector<16x24576xi1>, vector<16x24576xi32>
      %reduce_sum3A_113 = arith.constant dense<0> : vector<16xi32>
      %reduce_sum3A_114 = vector.multi_reduction <add>, %select_n3A_112, %reduce_sum3A_113 [1] : vector<16x24576xi32> to vector<16xi32>
      %broadcast_in_dim3A_115 = vector.shape_cast %reduce_sum3A_114 : vector<16xi32> to vector<16x1xi32>
      %ge3A_116 = arith.cmpi sge, %broadcast_in_dim3A_115, %min3A_32 : vector<16x1xi32>
      %select_n3A_117 = arith.select %ge3A_116, %add3A_105, %scan3A_75 : vector<16x1xi1>, vector<16x1xi32>
      %select_n3A_118 = arith.select %ge3A_116, %scan3A_76, %add3A_105 : vector<16x1xi1>, vector<16x1xi32>
      scf.yield %select_n3A_117, %select_n3A_118 : vector<16x1xi32>, vector<16x1xi32>
    }
    %ge3A = vector.broadcast %scan3A_40#0 : vector<16x1xi32> to vector<16x24576xi32>
    %ge3A_41 = arith.cmpi sge, %select_n3A_28, %ge3A : vector<16x24576xi32>
    %or3A = arith.ori %gt3A_13, %ge3A_41 : vector<16x24576xi1>
    %jit3A_42 = arith.constant 0.000000e+00 : f32
    %broadcast_in_dim3A_43 = vector.broadcast %jit3A_42 : f32 to vector<16x24576xf32>
    %select_n3A_44 = arith.select %or3A, %select_n3A, %broadcast_in_dim3A_43 : vector<16x24576xi1>, vector<16x24576xf32>
    %reduce_sum3A = vector.shape_cast %select_n3A_44 : vector<16x24576xf32> to vector<1x16x24576xf32>
    %reduce_sum3A_45 = arith.constant dense<0.000000e+00> : vector<1xf32>
    %reduce_sum3A_46 = vector.multi_reduction <add>, %reduce_sum3A, %reduce_sum3A_45 [1, 2] : vector<1x16x24576xf32> to vector<1xf32>
    %reduce_sum3A_47 = vector.shape_cast %reduce_sum3A_46 : vector<1xf32> to vector<1x1x1xf32>
    %reduce_sum3A_48 = vector.extract %reduce_sum3A_47[0, 0, 0] : f32 from vector<1x1x1xf32>
    %reduce_sum3A_49 = vector.shape_cast %get3A_18 : vector<16x1xi32> to vector<1x16x1xi32>
    %reduce_sum3A_50 = arith.constant dense<0> : vector<1xi32>
    %reduce_sum3A_51 = vector.multi_reduction <add>, %reduce_sum3A_49, %reduce_sum3A_50 [1, 2] : vector<1x16x1xi32> to vector<1xi32>
    %reduce_sum3A_52 = vector.shape_cast %reduce_sum3A_51 : vector<1xi32> to vector<1x1x1xi32>
    %reduce_sum3A_53 = vector.extract %reduce_sum3A_52[0, 0, 0] : i32 from vector<1x1x1xi32>
    %convert_element_type3A = arith.sitofp %reduce_sum3A_53 : i32 to f32
    %div3A = arith.divf %reduce_sum3A_48, %convert_element_type3A : f32
    %get3A_54 = arith.constant 0 : index
    %get3A_55 = arith.constant 0 : index
    %get3A_56 = arith.constant 0 : index
    %get3A_57 = vector.load %arg4[%get3A_54, %get3A_55, %get3A_56] : memref<16x1x1xf32, #tpu.memory_space<vmem>>, vector<16x1x1xf32>
    %reduce_sum3A_58 = vector.shape_cast %get3A_57 : vector<16x1x1xf32> to vector<1x16x1x1xf32>
    %reduce_sum3A_59 = arith.constant dense<0.000000e+00> : vector<1xf32>
    %reduce_sum3A_60 = vector.multi_reduction <add>, %reduce_sum3A_58, %reduce_sum3A_59 [1, 2, 3] : vector<1x16x1x1xf32> to vector<1xf32>
    %reduce_sum3A_61 = vector.shape_cast %reduce_sum3A_60 : vector<1xf32> to vector<1x1x1x1xf32>
    %reduce_sum3A_62 = vector.extract %reduce_sum3A_61[0, 0, 0, 0] : f32 from vector<1x1x1x1xf32>
    %div3A_63 = arith.divf %reduce_sum3A_62, %convert_element_type3A : f32
    %reshape3A = vector.broadcast %div3A : f32 to vector<1x1xf32>
    %swap3A = arith.constant 0 : index
    %swap3A_64 = arith.constant 0 : index
    %swap3A_65 = vector.load %arg5[%swap3A, %swap3A_64] : memref<1x1xf32, #tpu.memory_space<vmem>>, vector<1x1xf32>
    tpu.vector_store %arg5[%swap3A, %swap3A_64], %reshape3A {strides = array<i32>} : memref<1x1xf32, #tpu.memory_space<vmem>>, vector<1x1xf32>,
    %reshape3A_66 = vector.broadcast %div3A_63 : f32 to vector<1x1xf32>
    %swap3A_67 = arith.constant 0 : index
    %swap3A_68 = arith.constant 0 : index
    %swap3A_69 = vector.load %arg6[%swap3A_67, %swap3A_68] : memref<1x1xf32, #tpu.memory_space<vmem>>, vector<1x1xf32>
    tpu.vector_store %arg6[%swap3A_67, %swap3A_68], %reshape3A_66 {strides = array<i32>} : memref<1x1xf32, #tpu.memory_space<vmem>>, vector<1x1xf32>,
    %add3A = arith.addf %div3A, %div3A_63 : f32
    %reshape3A_70 = vector.broadcast %add3A : f32 to vector<1x1xf32>
    %swap3A_71 = arith.constant 0 : index
    %swap3A_72 = arith.constant 0 : index
    %swap3A_73 = vector.load %arg7[%swap3A_71, %swap3A_72] : memref<1x1xf32, #tpu.memory_space<vmem>>, vector<1x1xf32>
    tpu.vector_store %arg7[%swap3A_71, %swap3A_72], %reshape3A_70 {strides = array<i32>} : memref<1x1xf32, #tpu.memory_space<vmem>>, vector<1x1xf32>,
    return
  }
}

</mosaic_0001>

<sc_bundles>
// kernel: kernel.6.cloned.1.call-start
scs
__scs_entry_jumppad:
0x0: {  	(pc) =	sbr.rel $0x88, $3  }
0x1: {  	(tag) =	ssettag $0x0;
	lr =	simm.s32 $0x1  }
0x2: {  	[smem:$0x3F9C] =	sst lr;
	_ =	strace $0xD0000000  }
0x3: {  	_ = 	snop  }
0x4: {  	_ = 	snop  }
0x5: {  	_ = 	snop  }
0x6: {  	_ = 	snop  }
0x7: {  	_ = 	snop  }
__scs_overlays_trampoline_lowered:
0x8: {  	[smem:$0x3FAB] =	sst s0  }
0x9: {  	[smem:$0x3FAC] =	sst s1  }
0xa: {  	[smem:$0x3FAD] =	sst s2  }
0xb: {  	[smem:$0x3FAE] =	sst s3  }
0xc: {  	[smem:$0x3FAF] =	sst s4  }
0xd: {  	[smem:$0x3FB0] =	sst s5  }
0xe: {  	[smem:$0x3FB1] =	sst s6  }
0xf: {  	[smem:$0x3FB2] =	sst s7  }
0x10: {  	[smem:$0x3FB3] =	sst s8  }
0x11: {  	[smem:$0x3FB4] =	sst s9;
	s0 =	simm.s32 @!p0 $0x0  }
0x12: {  	s1 =	sld [smem:$0x3F9A];
	s0 =	simm.s32 @p0 $0x1  }
0x13: {  	[smem:$0x3FB5] =	sst s0;
	s0 =	simm.s32 @!p1 $0x0  }
0x14: {  	s2 =	sld [smem:$0x3F99];
	s0 =	simm.s32 @p1 $0x1  }
0x15: {  	[smem:$0x3FB6] =	sst s0;
	s0 =	simm.s32 @!p2 $0x0  }
0x16: {  	s3 =	sld [smem:$0x3FDB];
	s0 =	simm.s32 @p2 $0x1  }
0x17: {  	s4 =	simm.s32 $0x1BF5;
	[smem:$0x3FB8] =	sst s0  }
0x18: {  	s0 =	sld [smem:$0x3F9B];
	_ =	swait.ge [sflag:s4], $0x0  }
0x19: {  	s7 =	sld [smem:$0x3F9C]  }
0x1a: {  	s8 =	sadd.s32 $0xFFFFE003, lr  }
0x1b: {  	s9 =	sadd.s32 $0xFFFFFEF7, lr;
	s5 =	simm.s32 $0xFFFFFFFF;
	p2 =	slt.u32 s8, $0xFFFFF086  }
0x1c: {  	p1 =	slt.u32 s9, $0xF7A;
	s5 =	simm.s32 @!p2 $0x0  }
0x1d: {  	s5 =	simm.s32 @p1 $0x1;
	p0 =	seq.s32 s7, s2  }
0x1e: {  	s7 =	smul.u32 @!p0 $0xF7A, s2;
	p2 =	seq.s32 @!p0 s5, $0x0  }
0x1f: {  	s9 =	smul.u32 $0xF7A, s1;
	s8 =	simm.s32 @!p0 $0x1BF5;
	p2 =	por !p2, p0  }
0x20: {  	[sflag:s8] =	ssyncset.s32 @!p0 $0xFFFFF086;
	s6 =	sadd.s32 @!p0 s3, s7;
	s7 =	simm.s32 @!p0 $0x108  }
0x21: {  	s3 =	sadd.s32 s3, s9;
	s6 =	sadd.s32 @!p0 $0x88, s6;
	s7 =	simm.s32 @p2 $0x1082  }
0x22: {  	[simem:s7], [sflag:s8] =	dma.local @!p0 [hbm:s6], $0xF7A  }
0x23: {  	s9 =	sor.u32 $0xD0000000, s2;
	s6 =	simm.s32 $0x108;
	_ =	swait.ge @!p0 [sflag:s8], $0x0  }
0x24: {  	s3 =	sadd.s32 $0x88, s3;
	s6 =	simm.s32 @!p1 $0x1082;
	[sflag:s4] =	ssyncset.s32 $0xFFFFF086  }
0x25: {  	[simem:s6], [sflag:s4] =	dma.local [hbm:s3], $0xF7A  }
0x26: {  	[smem:$0x3F9C] =	sst s1;
	(tag) =	ssettag s2;
	_ =	strace s9  }
0x27: {  	s1 =	sld [smem:$0x3FAC]  }
0x28: {  	s2 =	sld [smem:$0x3FAD]  }
0x29: {  	s4 =	sld [smem:$0x3FAF]  }
0x2a: {  	p0 =	seq.s32 s5, $0x0;
	s5 =	sld [smem:$0x3FB0]  }
0x2b: {  	s6 =	sld [smem:$0x3FB1]  }
0x2c: {  	s7 =	sld [smem:$0x3FB2]  }
0x2d: {  	s3 =	simm.s32 $0x108;
	s8 =	sld [smem:$0x3FB3]  }
0x2e: {  	s3 =	simm.s32 @!p0 $0x1082;
	s9 =	sld [smem:$0x3FB4]  }
0x2f: {  	lr =	sadd.s32 s0, s3;
	s0 =	sld [smem:$0x3FAB]  }
0x30: {  	s3 =	sld [smem:$0x3FAE]  }
0x31: {  	[smem:$0x3FB7] =	sst s10  }
0x32: {  	s10 =	sld [smem:$0x3FB5];
	_ =	sdelay $0x3  }
0x33: {  	p0 =	seq.s32 s10, $0x1;
	s10 =	sld [smem:$0x3FB7];
	_ =	sdelay $0x3  }
0x34: {  	[smem:$0x3FB7] =	sst s10  }
0x35: {  	s10 =	sld [smem:$0x3FB6];
	_ =	sdelay $0x3  }
0x36: {  	p1 =	seq.s32 s10, $0x1;
	s10 =	sld [smem:$0x3FB7];
	_ =	sdelay $0x3  }
0x37: {  	[smem:$0x3FB7] =	sst s10  }
0x38: {  	s10 =	sld [smem:$0x3FB8]  }
0x39: {  	_ = 	snop;
	(pc) =	sbr.ind lr, $3  }
0x3a: {  	_ = 	snop  }
0x3b: {  	_ = 	snop  }
0x3c: {  	p2 =	seq.s32 s10, $0x1;
	s10 =	sld [smem:$0x3FB7]  }
0x3d: {  	_ =	shalt  }
0x3e: {  	_ =	shalt  }
0x3f: {  	_ =	shalt  }
0x40: {  	_ =	shalt  }
0x41: {  	_ =	shalt  }
0x42: {  	_ =	shalt  }
0x43: {  	_ =	shalt  }
0x44: {  	_ =	shalt  }
0x45: {  	_ =	shalt  }
0x46: {  	_ =	shalt  }
0x47: {  	_ =	shalt  }
0x48: {  	_ =	shalt  }
0x49: {  	_ =	shalt  }
0x4a: {  	_ =	shalt  }
0x4b: {  	_ =	shalt  }
0x4c: {  	_ =	shalt  }
0x4d: {  	_ =	shalt  }
0x4e: {  	_ =	shalt  }
0x4f: {  	_ =	shalt  }
0x50: {  	_ =	shalt  }
0x51: {  	_ =	shalt  }
0x52: {  	_ =	shalt  }
0x53: {  	_ =	shalt  }
0x54: {  	_ =	shalt  }
0x55: {  	_ =	shalt  }
0x56: {  	_ =	shalt  }
0x57: {  	_ =	shalt  }
0x58: {  	_ =	shalt  }
0x59: {  	_ =	shalt  }
0x5a: {  	_ =	shalt  }
0x5b: {  	_ =	shalt  }
0x5c: {  	_ =	shalt  }
0x5d: {  	_ =	shalt  }
0x5e: {  	_ =	shalt  }
0x5f: {  	_ =	shalt  }
0x60: {  	_ =	shalt  }
0x61: {  	_ =	shalt  }
0x62: {  	_ =	shalt  }
0x63: {  	_ =	shalt  }
0x64: {  	_ =	shalt  }
0x65: {  	_ =	shalt  }
0x66: {  	_ =	shalt  }
0x67: {  	_ =	shalt  }
0x68: {  	_ =	shalt  }
0x69: {  	_ =	shalt  }
0x6a: {  	_ =	shalt  }
0x6b: {  	_ =	shalt  }
0x6c: {  	_ =	shalt  }
0x6d: {  	_ =	shalt  }
0x6e: {  	_ =	shalt  }
0x6f: {  	_ =	shalt  }
0x70: {  	_ =	shalt  }
0x71: {  	_ =	shalt  }
0x72: {  	_ =	shalt  }
0x73: {  	_ =	shalt  }
0x74: {  	_ =	shalt  }
0x75: {  	_ =	shalt  }
0x76: {  	_ =	shalt  }
0x77: {  	_ =	shalt  }
0x78: {  	_ =	shalt  }
0x79: {  	_ =	shalt  }
0x7a: {  	_ =	shalt  }
0x7b: {  	_ =	shalt  }
0x7c: {  	_ =	shalt  }
0x7d: {  	_ =	shalt  }
0x7e: {  	_ =	shalt  }
0x7f: {  	_ =	shalt  }
0x80: {  	_ =	shalt  }
0x81: {  	_ =	shalt  }
0x82: {  	_ =	shalt  }
0x83: {  	_ =	shalt  }
0x84: {  	_ =	shalt  }
0x85: {  	_ =	shalt  }
0x86: {  	_ =	shalt  }
0x87: {  	_ =	shalt  }
.Lfunc_end0:
.L_simem_size_0:
called_computation_lowered:
.L_overlay_start_0:
0x88: {  	s2 =	sld [smem:$0x3FD9]  }
0x89: {  	s3 =	sld [smem:$0x3FFE];
	_ =	sdelay $0x1  }
0x8a: {  	s1 =	srdreg.scid  }
0x8b: {  	s0 =	sand.u32 $0x1, s1  }
0x8c: {  	s16 =	sshll.u32 s0, $0xA;
	s2 =	sadd.s32 s3, s2  }
0x8d: {  	s2 =	sadd.s32 s2, s16  }
0x8e: {  	[smem:$0x3FC3] =	sst s2  }
0x8f: {  	_ = 	snop  }
0x90: {  	(tm) =	ssettm $0x1  }
0x91: {  	s17 =	sld [smem:$0x3FFB];
	_ =	sdelay $0x3  }
0x92: {  	_ =	strace s17  }
0x93: {  	s2 =	sld [smem:$0x3FFC];
	_ =	sdelay $0x3  }
0x94: {  	_ =	strace s2  }
0x95: {  	s2 =	sld [smem:$0x3FFD];
	_ =	sdelay $0x3  }
0x96: {  	_ =	strace s2  }
0x97: {  	_ =	strace $0x8FFFFFFF  }
0x98: {  	s18 =	sld [smem:$0x3FDB];
	_ =	sdelay $0x1  }
0x99: {  	s19 =	simm.s32 $_scs_section_size  }
0x9a: {  	s4 =	simm.s32 $_size__tile_overlayer_lowered;
	s5 =	simm.s32 $_tile_overlayer_lowered  }
0x9b: {  	s22 =	simm.s32 $0x1BFF;
	s21 =	sshll.u32 s5, $0x1;
	s2 =	sadd.s32 s19, s18  }
0x9c: {  	s6 =	simm.s32 $0x0;
	s20 =	sshll.u32 s4, $0x1;
	s4 =	sadd.s32 s21, s2  }
0x9d: {  	[timem:s6], [sflag:s22] =	dma.local [hbm:s4], s20  }
0x9e: {  	_ =	swait.ge [sflag:s22], s20  }
0x9f: {  	s3 =	ssub.s32 $0x0, s20;
	[sflag:s22] =	ssyncset.done $0x0  }
0xa0: {  	[sflag:s22] =	ssyncadd.s32 s3;
	_ =	sdelay $0x1  }
0xa1: {  	s23 =	simm.s32 $0x1B8B  }
0xa2: {  	_ =	swait.ge [sflag:s23], $0x1  }
0xa3: {  	[sflag:s23] =	ssyncset.done $0x0  }
0xa4: {  	s25 =	simm.s32 $0x1B8E;
	s24 =	sld [smem:$0x3FFE];
	[sflag:s23] =	ssyncadd.s32 $0xFFFFFFFF  }
0xa5: {  	s26 =	simm.s32 $execute0_lowered;
	[smem:$0x3FD2] =	sst s25  }
0xa6: {  	s4 =	sshll.u32 s26, $0x1;
	_ =	strace $0x80000046;
	[dreg:$0x1] =	wrdreg $0xFFFFFFFF  }
0xa7: {  	s28 =	simm.s32 $_size_execute0_lowered;
	s2 =	sadd.s32 s2, s4;
	[dreg:$0x0] =	wrdreg $0x0  }
0xa8: {  	s4 =	sshll.u32 s28, $0x1;
	[dreg:$0x2] =	wrdreg s2  }
0xa9: {  	[dreg:$0x3] =	wrdreg s4  }
0xaa: {  	[dreg:$0x4] =	wrdreg $0xC0  }
0xab: {  	_ =	task [dreg:s6], $0x5FFFF  }
0xac: {  	[dreg:$0x1] =	wrdreg $0xFFFFFFFF  }
0xad: {  	[dreg:$0x0] =	wrdreg $0x60  }
0xae: {  	[dreg:$0x2] =	wrdreg s24  }
0xaf: {  	[dreg:$0x3] =	wrdreg $0x9  }
0xb0: {  	_ =	task.clear_ibuf [dreg:s6], $0x4FFFF;
	_ =	strace $0x90000046  }
0xb1: {  	s29 =	simm.s32 $0x9;
	_ =	strace $0x80000048  }
0xb2: {  	_ =	swait.ge [sflag:s29], $0x1  }
0xb3: {  	[sflag:s29] =	ssyncadd.s32 $0xFFFFFFFF  }
0xb4: {  	_ =	strace $0x90000048  }
0xb5: {  	_ =	sfence  }
0xb6: {  	s30 =	sld [smem:$0x0];
	_ =	sdelay $0x2  }
0xb7: {  	s31 =	sshll.u32 s1, $0xD;
	s1 =	sshrl.u32 s1, $0x2  }
0xb8: {  	s3 =	sand.u32 $0x4000, s31;
	s1 =	sadd.s32 s1, s30  }
0xb9: {  	s0 =	sor.u32 s3, s0;
	s1 =	sshll.u32 s1, $0x11  }
0xba: {  	s0 =	sor.u32 s1, s0  }
0xbb: {  	s0 =	sadd.s32 $0x8F2B, s0  }
0xbc: {  	[sflag:s0] =	ssyncadd.remote.s32 $0x1  }
0xbd: {  	_ =	sfence.sel $0xFFFF  }
0xbe: {  	[dreg:$0x0] =	wrdreg $0xFFFFFFFF;
	(pc) =	sbr.abs _section_cstart, $3  }
0xbf: {  	[dreg:$0x1] =	wrdreg $0xFFFFFFFF  }
0xc0: {  	_ =	task.clear_ibuf [dreg:s6], $0x2FFFF;
	_ =	strace $0x9FFFFFFF  }
0xc1: {  	(tm) =	ssettm $0x7FFFFFFF  }
tec
execute0_lowered:
.L_overlay_start_1:
0x0: {  	(tag) =	ssettag $0x1  }
0x1: {  	s1 =	srdreg.scid  }
0x2: {  	s0 =	stileid.u32;
	s4 =	rddreg [dreg:$0x0]  }
0x3: {  	s2 =	simm.s32 $0x0;
	s7 =	simm.s32 $0x2;
	s8 =	simm.s32 $0x80  }
0x4: {  	s9 =	simm.s32 $0x1;
	s3 =	sand.u32 $0x1, s1;
	s5 =	sshll.u32 s0, $0x1  }
0x5: {  	s10 =	simm.s32 $0x3000;
	s11 =	simm.s32 $0x0;
	s5 =	sor.u32 s3, s5  }
0x6: {  	[smem:$0x7FF] =	sst s2;
	s6 =	ssub.s32 $0x2, s3;
	s5 =	smul.u32 $0x600, s5  }
0x7: {  	s1 =	rddreg [dreg:$0x1];
	_ =	strace $0x80000047;
	s31 =	sshrl.u32 s6, $0x1  }
0x8: {  	s3 =	sadd.s32 $0x4200, s4;
	s6 =	ssub.s32 s6, s31;
	s5 =	sadd.s32 s5, s4  }
0x9: {  	s6 =	smax.u32 s6, $0x1;
	s4 =	sadd.s32 $0x9D3C00, s5;
	s5 =	sadd.s32 $0x9EBC00, s5  }
.LBB2_1:
0xa: {  	[tilespmem:s2], [sflag:$0x2] =	stream.linear.gather [hbm4b:s4+s2], $0x3000, $0x38;
	[tilespmem:$0x6000] =	vst v63  }
0xb: {  	_ =	swait.ge [sflag:s7], $0x3000  }
0xc: {  	[sflag:s7] =	ssyncset.done $0x0  }
0xd: {  	s12 =	simm.s32 $0x0;
	s13 =	simm.s32 $0x3000;
	[sflag:s7] =	ssyncadd.s32 $0xFFFFD000  }
0xe: {  	[tilespmem:s13], [sflag:$0x1] =	stream.indirect.gather [hbm4b:s3+s8], $0x1, s12, s8, $0xb8;
	[tilespmem:$0x6000] =	vst v63  }
0xf: {  	s12 =	simm.s32 $0x200;
	_ =	swait.ge [sflag:s9], $0x80  }
.LBB2_2:
0x10: {  	s13 =	sshra.s32 s12, $0x2;
	[sflag:s9] =	ssyncset.done $0x0;
	p0 =	sne.s32 s12, $0xBE00  }
.Ltmp0:
0x11: {  	s14 =	sadd.s32 $0x3000, s13;
	[sflag:s9] =	ssyncadd.s32 $0xFFFFFF80;
	(pc) =	sbr.rel @p0 .LBB2_2-.Ltmp0, $3  }
0x12: {  	[tilespmem:s14], [sflag:$0x1] =	stream.indirect.gather [hbm4b:s3+s8], $0x1, s13, s8, $0xb8;
	[tilespmem:$0x6000] =	vst v63  }
0x13: {  	s12 =	sadd.s32 $0x200, s12;
	_ =	sdelay $0x1  }
0x14: {  	_ =	swait.ge [sflag:s9], $0x80  }
0x15: {  	s11 =	sadd.s32 $0x1, s11  }
0x16: {  	[sflag:s9] =	ssyncset.done $0x0;
	p0 =	sne.s32 s11, s6  }
.Ltmp1:
0x17: {  	[sflag:s9] =	ssyncadd.s32 $0xFFFFFF80;
	(pc) =	sbr.rel @p0 .LBB2_1-.Ltmp1, $4  }
0x18: {  	[hbm4b:s5+s2] =	stream.linear.scatter [tilespmem:s10], [sflag:$0x2], $0x3000, $0x38;
	[tilespmem:$0x6000] =	vst v63  }
0x19: {  	_ =	swait.ge [sflag:s7], $0x3000  }
0x1a: {  	[sflag:s7] =	ssyncset.done $0x0  }
0x1b: {  	[sflag:s7] =	ssyncadd.s32 $0xFFFFD000  }
0x1c: {  	_ =	sfence.sel $0x180000  }
0x1d: {  	[bflag:$0x0] =	sbarrier.arrive $0xFFFF  }
0x1e: {  	p0 =	sne.s32 s0, $0x0;
	_ =	strace $0x90000047  }
0x1f: {  	s0 =	sadd.s32 @!p0 $0x100000, s1;
	[bflag:$0x2] =	sbarrier.arrive $0xFFFF  }
0x20: {  	[sflag:s0] =	ssyncadd.tile.s32 @!p0 $0x1;
	_ =	shalt  }
.Lfunc_end2:
_tile_overlayer_lowered:
.L_overlay_start_2:
0x21: {  	(tag) =	ssettag $0x2  }
0x22: {  	s0 =	rddreg [dreg:$0x0];
	s2 =	stileid.u32  }
0x23: {  	s1 =	rddreg [dreg:$0x1];
	p0 =	sne.s32 s2, $0x0  }
0x24: {  	s3 =	rddreg [dreg:$0x2];
	[bflag:$0x3] =	sbarrier.arrive $0xFFFF;
	s2 =	simm.s32 @!p0 $0x1C02  }
0x25: {  	[timem:s3], [sflag:s2] =	dma.local @!p0 [hbm:s0], s1  }
0x26: {  	s0 =	simm.s32 @!p0 $0x2  }
0x27: {  	_ =	swait.ge @!p0 [sflag:s0], s1  }
0x28: {  	s1 =	ssub.s32 @!p0 $0x0, s1;
	[sflag:s0] =	ssyncset.done @!p0 $0x0  }
0x29: {  	[sflag:s0] =	ssyncadd.s32 @!p0 s1  }
0x2a: {  	[bflag:$0x3] =	sbarrier.arrive $0xFFFF  }
0x2b: {  	_ =	shalt  }

</sc_bundles>
